<compile_context>
chip_gen: v7x
topology: tpu7x:2x2x1
jax: 0.10.2.dev20260603
libtpu: 0.0.44.dev20260713+nightly
codegen_flags: <defaults>
</compile_context>

<pallas_src>
import jax
import jax.numpy as jnp
from jax import lax
from jax.experimental import pallas as pl
from jax.experimental.pallas import tpu as pltpu
import jax.experimental.pallas.tpu_sc as plsc
import functools

N_ROWS = 320000
D = 128
N_SEG = 10000
CHUNK = 80
N_CHUNKS = N_ROWS // CHUNK
NC = 2
NS = 16
NW = NC * NS
CHUNKS_PER_W = -(-N_CHUNKS // NW)
SEG_PAD = 10240
SEG_PER_TILE = SEG_PAD // NS
STAGE_STEPS = SEG_PER_TILE // CHUNK
L = 16


def _sc_partial_sums(x, ids, zeros_s, zeros_c1):
    mesh = plsc.VectorSubcoreMesh(core_axis_name="c", subcore_axis_name="s",
                                  num_cores=NC, num_subcores=NS)

    @functools.partial(
        pl.kernel,
        mesh=mesh,
        compiler_params=pltpu.CompilerParams(needs_layout_passes=False),
        out_type=(
            jax.ShapeDtypeStruct((NC * SEG_PAD, D), jnp.float32),
            jax.ShapeDtypeStruct((NW * SEG_PAD,), jnp.float32),
        ),
        scratch_types=[
            pltpu.VMEM_SHARED((SEG_PAD, D), jnp.float32),
            pltpu.VMEM((SEG_PAD,), jnp.float32),
            pltpu.VMEM((3, CHUNK, D), jnp.float32),
            pltpu.VMEM((3, CHUNK), jnp.int32),
            pltpu.SemaphoreType.DMA,
            pltpu.SemaphoreType.DMA,
            pltpu.SemaphoreType.DMA,
            pltpu.SemaphoreType.DMA,
            pltpu.SemaphoreType.DMA,
            pltpu.SemaphoreType.DMA,
            pltpu.SemaphoreType.DMA,
            pltpu.SemaphoreType.DMA,
            pltpu.SemaphoreType.DMA,
        ],
    )
    def k(x_hbm, ids_hbm, zs_hbm, zc1_hbm,
          psum_hbm, pcnt_hbm, acc_sh, cnt_v, rows2_v, idx2_v,
          sem_i0, sem_i1, sem_i2, sem_r0, sem_r1, sem_r2,
          sem_s0, sem_s1, sem_s2):
        sem_i = (sem_i0, sem_i1, sem_i2)
        sem_r = (sem_r0, sem_r1, sem_r2)
        sem_s = (sem_s0, sem_s1, sem_s2)
        cid = lax.axis_index("c")
        sid = lax.axis_index("s")
        w = cid * NS + sid
        tile_base = sid * SEG_PER_TILE

        pltpu.async_copy(zc1_hbm, cnt_v, sem_s0)
        pltpu.sync_copy(zs_hbm, rows2_v.at[2])

        def issue_gather(i, b):
            t = w + NW * i

            @pl.when(t < N_CHUNKS)
            def _():
                base = t * CHUNK
                pltpu.async_copy(ids_hbm.at[pl.ds(base, CHUNK)], idx2_v.at[b],
                                 sem_i[b])
                pltpu.async_copy(x_hbm.at[pl.ds(base, CHUNK), :], rows2_v.at[b],
                                 sem_r[b])

        def wait_scatter(i, b):
            t = w + NW * i

            @pl.when(jnp.logical_and(i >= 0, t < N_CHUNKS))
            def _():
                pltpu.make_async_copy(rows2_v.at[b], acc_sh.at[idx2_v.at[b]],
                                      sem_s[b]).wait()

        def step(i, b):
            wait_scatter(i - 2, (b + 1) % 3)
            issue_gather(i + 1, (b + 1) % 3)
            t = w + NW * i

            @pl.when(t < N_CHUNKS)
            def _():
                base = t * CHUNK
                pltpu.make_async_copy(ids_hbm.at[pl.ds(base, CHUNK)],
                                      idx2_v.at[b], sem_i[b]).wait()
                pltpu.make_async_copy(x_hbm.at[pl.ds(base, CHUNK), :],
                                      rows2_v.at[b], sem_r[b]).wait()
                pltpu.async_copy(rows2_v.at[b], acc_sh.at[idx2_v.at[b]],
                                 sem_s[b], add=True)
                for kq in range(CHUNK // L):
                    v = idx2_v[b, pl.ds(kq * L, L)]
                    plsc.addupdate_scatter(cnt_v, [v], jnp.ones((L,), jnp.float32))

        issue_gather(0, 0)
        for j in range(STAGE_STEPS):
            pltpu.async_copy(rows2_v.at[2],
                             acc_sh.at[pl.ds(tile_base + j * CHUNK, CHUNK)],
                             sem_s1)
        pltpu.make_async_copy(zc1_hbm, cnt_v, sem_s0).wait()
        for j in range(STAGE_STEPS):
            pltpu.make_async_copy(rows2_v.at[2],
                                  acc_sh.at[pl.ds(tile_base + j * CHUNK, CHUNK)],
                                  sem_s1).wait()
        plsc.subcore_barrier()

        def body(g, _):
            i0 = 3 * g
            step(i0, 0)
            step(i0 + 1, 1)
            step(i0 + 2, 2)
            return 0

        N_G = (CHUNKS_PER_W + 2) // 3 + 1
        lax.fori_loop(0, N_G, body, 0)
        plsc.subcore_barrier()

        off = cid * SEG_PAD + tile_base
        pltpu.async_copy(cnt_v, pcnt_hbm.at[pl.ds(w * SEG_PAD, SEG_PAD)], sem_s2)

        def s2v(j):
            return pltpu.make_async_copy(
                acc_sh.at[pl.ds(tile_base + j * CHUNK, CHUNK)],
                rows2_v.at[j % 2], sem_i[j % 2])

        def v2h(j):
            return pltpu.make_async_copy(
                rows2_v.at[j % 2],
                psum_hbm.at[pl.ds(off + j * CHUNK, CHUNK), :], sem_r[j % 2])

        pltpu.async_copy(acc_sh.at[pl.ds(tile_base, CHUNK)], rows2_v.at[0],
                         sem_i[0])
        for j in range(STAGE_STEPS):
            s2v(j).wait()
            pltpu.async_copy(rows2_v.at[j % 2],
                             psum_hbm.at[pl.ds(off + j * CHUNK, CHUNK), :],
                             sem_r[j % 2])
            if j + 1 < STAGE_STEPS:
                if j - 1 >= 0:
                    v2h(j - 1).wait()
                pltpu.async_copy(
                    acc_sh.at[pl.ds(tile_base + (j + 1) * CHUNK, CHUNK)],
                    rows2_v.at[(j + 1) % 2], sem_i[(j + 1) % 2])
        v2h(STAGE_STEPS - 2).wait()
        v2h(STAGE_STEPS - 1).wait()
        pltpu.make_async_copy(cnt_v, pcnt_hbm.at[pl.ds(w * SEG_PAD, SEG_PAD)],
                              sem_s2).wait()

    return k(x, ids, zeros_s, zeros_c1)


def _combine_kernel(ps_ref, pc_ref, out_ref):
    s = ps_ref[0, :N_SEG] + ps_ref[1, :N_SEG]
    c = jnp.sum(pc_ref[...], axis=0)[:N_SEG, None]
    out_ref[...] = s / jnp.maximum(c, 1.0)


def _combine(psum, pcnt):
    return pl.pallas_call(
        _combine_kernel,
        out_shape=jax.ShapeDtypeStruct((N_SEG, D), jnp.float32),
    )(psum, pcnt)


@jax.jit
def kernel(X, cluster_assignment):
    ids = cluster_assignment.astype(jnp.int32)
    zeros_s = jnp.zeros((CHUNK, D), jnp.float32)
    zeros_c1 = jnp.zeros((SEG_PAD,), jnp.float32)
    psum, pcnt = _sc_partial_sums(X, ids, zeros_s, zeros_c1)
    psum = psum.reshape(NC, SEG_PAD, D)
    pcnt = pcnt.reshape(NW, SEG_PAD)
    return _combine(psum, pcnt)

# --- scband reference (transcript-rebuilt; emitter-appended) ---
"""Pipeline reference for scband-cluster-pooling-layer-20091857011027 (READ-ONLY COPY).

The authoritative reference and input builder live on the scoring server;
editing this copy changes nothing except your own understanding.
"""

import jax, jax.numpy as jnp
import numpy as np

NUM_SEGMENTS = 10000

def setup_inputs(seed: int = 0) -> dict:
    key = jax.random.key(seed)
    k1, k2 = jax.random.split(key)
    X = jax.random.normal(k1, (320000, 128), dtype=jnp.float32)
    cluster_assignment = jnp.sort(jax.random.randint(k2, (320000,), 0, NUM_SEGMENTS, dtype=jnp.int64))
    return {"X": X, "cluster_assignment": cluster_assignment}

def reference(X, cluster_assignment):
    # global_mean_pool: segment-wise mean of node features per cluster
    sums = jax.ops.segment_sum(X, cluster_assignment, num_segments=NUM_SEGMENTS)
    counts = jax.ops.segment_sum(jnp.ones((X.shape[0],), dtype=X.dtype), cluster_assignment, num_segments=NUM_SEGMENTS)
    counts = jnp.maximum(counts, 1.0)
    pooled = sums / counts[:, None]
    return pooled

if __name__ == "__main__":
    import jax
    _d = setup_inputs()
    print(jax.jit(kernel)(*tuple(_d.values())))

</pallas_src>

<mosaic_0001>
#map = affine_map<(d0, d1) -> (0, 0)>
#map1 = affine_map<(d0, d1) -> (0)>
module attributes {stable_mosaic.version = 14 : i64} {
  func.func @k(%arg0: i32, %arg1: i32, %arg2: memref<320000x128xf32, #tpu.memory_space<hbm>>, %arg3: memref<320000xi32, #tpu.memory_space<hbm>>, %arg4: memref<80x128xf32, #tpu.memory_space<hbm>>, %arg5: memref<10240xf32, #tpu.memory_space<hbm>>, %arg6: memref<20480x128xf32, #tpu.memory_space<hbm>>, %arg7: memref<327680xf32, #tpu.memory_space<hbm>>, %arg8: memref<10240x128xf32, #tpu.memory_space<vmem_shared>>, %arg9: memref<10240xf32, #tpu.memory_space<vmem>>, %arg10: memref<3x80x128xf32, #tpu.memory_space<vmem>>, %arg11: memref<3x80xi32, #tpu.memory_space<vmem>>, %arg12: memref<!tpu.dma_semaphore, #tpu.memory_space<semaphore_mem>>, %arg13: memref<!tpu.dma_semaphore, #tpu.memory_space<semaphore_mem>>, %arg14: memref<!tpu.dma_semaphore, #tpu.memory_space<semaphore_mem>>, %arg15: memref<!tpu.dma_semaphore, #tpu.memory_space<semaphore_mem>>, %arg16: memref<!tpu.dma_semaphore, #tpu.memory_space<semaphore_mem>>, %arg17: memref<!tpu.dma_semaphore, #tpu.memory_space<semaphore_mem>>, %arg18: memref<!tpu.dma_semaphore, #tpu.memory_space<semaphore_mem>>, %arg19: memref<!tpu.dma_semaphore, #tpu.memory_space<semaphore_mem>>, %arg20: memref<!tpu.dma_semaphore, #tpu.memory_space<semaphore_mem>>) attributes {dimension_semantics = [#tpu.dimension_semantics<core_parallel>, #tpu.dimension_semantics<subcore_parallel>], iteration_bounds = array<i64: 2, 16>, scalar_prefetch = 0 : i64, scratch_operands = 13 : i64, tpu.core_type = #tpu.core_type<sc_vector_subcore>, window_params = [{transform_indices = #map}, {transform_indices = #map1}, {transform_indices = #map}, {transform_indices = #map1}, {transform_indices = #map}, {transform_indices = #map1}]} {
    %mul3A = arith.constant 16 : i32
    %mul3A_0 = arith.muli %arg0, %mul3A : i32
    %add3A = arith.addi %mul3A_0, %arg1 : i32
    %mul3A_1 = arith.constant 640 : i32
    %mul3A_2 = arith.muli %arg1, %mul3A_1 : i32
    tpu.enqueue_dma source(%arg5 : memref<10240xf32, #tpu.memory_space<hbm>>) target(%arg9 : memref<10240xf32, #tpu.memory_space<vmem>>) target_semaphore(%arg18 : memref<!tpu.dma_semaphore, #tpu.memory_space<semaphore_mem>>)
    %run_scoped3A = arith.constant 2 : i32
    "tpu.region"() ({
      %run_scoped3A_741 = tpu.sem_alloc : memref<!tpu.dma_semaphore, #tpu.memory_space<semaphore_mem>>
      %dma_start3A_742 = arith.constant 0 : i32
      %dma_start3A_743 = arith.constant 0 : i32
      %dma_start3A_744 = tpu.memref_slice %arg10[%run_scoped3A, %dma_start3A_742, %dma_start3A_743] : memref<3x80x128xf32, #tpu.memory_space<vmem>> -> memref<1x80x128xf32, #tpu.memory_space<vmem>>
      %dma_start3A_745 = tpu.memref_squeeze %dma_start3A_744 : memref<1x80x128xf32, #tpu.memory_space<vmem>> -> memref<80x128xf32, #tpu.memory_space<vmem>>
      %dma_start3A_746 = arith.constant 0 : i32
      %dma_start3A_747 = arith.constant 0 : i32
      %dma_start3A_748 = tpu.memref_slice %arg10[%run_scoped3A, %dma_start3A_746, %dma_start3A_747] : memref<3x80x128xf32, #tpu.memory_space<vmem>> -> memref<1x80x128xf32, #tpu.memory_space<vmem>>
      %dma_start3A_749 = tpu.memref_squeeze %dma_start3A_748 : memref<1x80x128xf32, #tpu.memory_space<vmem>> -> memref<80x128xf32, #tpu.memory_space<vmem>>
      tpu.enqueue_dma source(%arg4 : memref<80x128xf32, #tpu.memory_space<hbm>>) target(%dma_start3A_749 : memref<80x128xf32, #tpu.memory_space<vmem>>) target_semaphore(%run_scoped3A_741 : memref<!tpu.dma_semaphore, #tpu.memory_space<semaphore_mem>>)
      %dma_wait3A_750 = arith.constant 0 : i32
      %dma_wait3A_751 = arith.constant 0 : i32
      %dma_wait3A_752 = tpu.memref_slice %arg10[%run_scoped3A, %dma_wait3A_750, %dma_wait3A_751] : memref<3x80x128xf32, #tpu.memory_space<vmem>> -> memref<1x80x128xf32, #tpu.memory_space<vmem>>
      %dma_wait3A_753 = tpu.memref_squeeze %dma_wait3A_752 : memref<1x80x128xf32, #tpu.memory_space<vmem>> -> memref<80x128xf32, #tpu.memory_space<vmem>>
      %dma_wait3A_754 = arith.constant 0 : i32
      %dma_wait3A_755 = arith.constant 0 : i32
      %dma_wait3A_756 = tpu.memref_slice %arg10[%run_scoped3A, %dma_wait3A_754, %dma_wait3A_755] : memref<3x80x128xf32, #tpu.memory_space<vmem>> -> memref<1x80x128xf32, #tpu.memory_space<vmem>>
      %dma_wait3A_757 = tpu.memref_squeeze %dma_wait3A_756 : memref<1x80x128xf32, #tpu.memory_space<vmem>> -> memref<80x128xf32, #tpu.memory_space<vmem>>
      tpu.wait_dma2 semaphore(%run_scoped3A_741 : memref<!tpu.dma_semaphore, #tpu.memory_space<semaphore_mem>>) src(%arg4 : memref<80x128xf32, #tpu.memory_space<hbm>>) dst(%dma_wait3A_757 : memref<80x128xf32, #tpu.memory_space<vmem>>)
      tpu.yield
    }) : () -> ()
    %add3A_3 = arith.constant 0 : i32
    %add3A_4 = arith.addi %add3A, %add3A_3 : i32
    %lt3A = arith.constant 4000 : i32
    %lt3A_5 = arith.cmpi slt, %add3A_4, %lt3A : i32
    %convert_element_type3A = arith.extui %lt3A_5 : i1 to i32
    %cond3A = arith.constant 0 : i32
    %cond3A_6 = arith.cmpi ne, %convert_element_type3A, %cond3A : i32
    scf.if %cond3A_6 {
      %mul3A_741 = arith.constant 80 : i32
      %mul3A_742 = arith.muli %add3A_4, %mul3A_741 : i32
      %dma_start3A_743 = arith.constant 0 : i32
      %dma_start3A_744 = arith.constant 0 : i32
      %dma_start3A_745 = tpu.memref_slice %arg11[%dma_start3A_743, %dma_start3A_744] : memref<3x80xi32, #tpu.memory_space<vmem>> -> memref<1x80xi32, #tpu.memory_space<vmem>>
      %dma_start3A_746 = tpu.memref_squeeze %dma_start3A_745 : memref<1x80xi32, #tpu.memory_space<vmem>> -> memref<80xi32, #tpu.memory_space<vmem>>
      %dma_start3A_747 = tpu.memref_slice %arg3[%mul3A_742] : memref<320000xi32, #tpu.memory_space<hbm>> -> memref<80xi32, #tpu.memory_space<hbm>>
      %dma_start3A_748 = arith.constant 0 : i32
      %dma_start3A_749 = tpu.memref_slice %arg11[%dma_start3A_743, %dma_start3A_748] : memref<3x80xi32, #tpu.memory_space<vmem>> -> memref<1x80xi32, #tpu.memory_space<vmem>>
      %dma_start3A_750 = tpu.memref_squeeze %dma_start3A_749 : memref<1x80xi32, #tpu.memory_space<vmem>> -> memref<80xi32, #tpu.memory_space<vmem>>
      %dma_start3A_751 = tpu.memref_slice %arg3[%mul3A_742] : memref<320000xi32, #tpu.memory_space<hbm>> -> memref<80xi32, #tpu.memory_space<hbm>>
      tpu.enqueue_dma source(%dma_start3A_751 : memref<80xi32, #tpu.memory_space<hbm>>) target(%dma_start3A_750 : memref<80xi32, #tpu.memory_space<vmem>>) target_semaphore(%arg12 : memref<!tpu.dma_semaphore, #tpu.memory_space<semaphore_mem>>)
      %dma_start3A_752 = arith.constant 0 : i32
      %dma_start3A_753 = arith.constant 0 : i32
      %dma_start3A_754 = arith.constant 0 : i32
      %dma_start3A_755 = tpu.memref_slice %arg10[%dma_start3A_752, %dma_start3A_753, %dma_start3A_754] : memref<3x80x128xf32, #tpu.memory_space<vmem>> -> memref<1x80x128xf32, #tpu.memory_space<vmem>>
      %dma_start3A_756 = tpu.memref_squeeze %dma_start3A_755 : memref<1x80x128xf32, #tpu.memory_space<vmem>> -> memref<80x128xf32, #tpu.memory_space<vmem>>
      %dma_start3A_757 = arith.constant 0 : i32
      %dma_start3A_758 = tpu.memref_slice %arg2[%mul3A_742, %dma_start3A_757] : memref<320000x128xf32, #tpu.memory_space<hbm>> -> memref<80x128xf32, #tpu.memory_space<hbm>>
      %dma_start3A_759 = arith.constant 0 : i32
      %dma_start3A_760 = arith.constant 0 : i32
      %dma_start3A_761 = tpu.memref_slice %arg10[%dma_start3A_752, %dma_start3A_759, %dma_start3A_760] : memref<3x80x128xf32, #tpu.memory_space<vmem>> -> memref<1x80x128xf32, #tpu.memory_space<vmem>>
      %dma_start3A_762 = tpu.memref_squeeze %dma_start3A_761 : memref<1x80x128xf32, #tpu.memory_space<vmem>> -> memref<80x128xf32, #tpu.memory_space<vmem>>
      %dma_start3A_763 = arith.constant 0 : i32
      %dma_start3A_764 = tpu.memref_slice %arg2[%mul3A_742, %dma_start3A_763] : memref<320000x128xf32, #tpu.memory_space<hbm>> -> memref<80x128xf32, #tpu.memory_space<hbm>>
      tpu.enqueue_dma source(%dma_start3A_764 : memref<80x128xf32, #tpu.memory_space<hbm>>) target(%dma_start3A_762 : memref<80x128xf32, #tpu.memory_space<vmem>>) target_semaphore(%arg15 : memref<!tpu.dma_semaphore, #tpu.memory_space<semaphore_mem>>)
    } else {
    }
    %add3A_7 = arith.constant 0 : i32
    %add3A_8 = arith.addi %mul3A_2, %add3A_7 : i32
    %dma_start3A = arith.constant 2 : i32
    %dma_start3A_9 = arith.constant 0 : i32
    %dma_start3A_10 = arith.constant 0 : i32
    %dma_start3A_11 = tpu.memref_slice %arg10[%dma_start3A, %dma_start3A_9, %dma_start3A_10] : memref<3x80x128xf32, #tpu.memory_space<vmem>> -> memref<1x80x128xf32, #tpu.memory_space<vmem>>
    %dma_start3A_12 = tpu.memref_squeeze %dma_start3A_11 : memref<1x80x128xf32, #tpu.memory_space<vmem>> -> memref<80x128xf32, #tpu.memory_space<vmem>>
    %dma_start3A_13 = arith.constant 0 : i32
    %dma_start3A_14 = tpu.memref_slice %arg8[%add3A_8, %dma_start3A_13] : memref<10240x128xf32, #tpu.memory_space<vmem_shared>> -> memref<80x128xf32, #tpu.memory_space<vmem_shared>>
    %dma_start3A_15 = arith.constant 0 : i32
    %dma_start3A_16 = tpu.memref_slice %arg8[%add3A_8, %dma_start3A_15] : memref<10240x128xf32, #tpu.memory_space<vmem_shared>> -> memref<80x128xf32, #tpu.memory_space<vmem_shared>>
    %dma_start3A_17 = arith.constant 0 : i32
    %dma_start3A_18 = arith.constant 0 : i32
    %dma_start3A_19 = tpu.memref_slice %arg10[%dma_start3A, %dma_start3A_17, %dma_start3A_18] : memref<3x80x128xf32, #tpu.memory_space<vmem>> -> memref<1x80x128xf32, #tpu.memory_space<vmem>>
    %dma_start3A_20 = tpu.memref_squeeze %dma_start3A_19 : memref<1x80x128xf32, #tpu.memory_space<vmem>> -> memref<80x128xf32, #tpu.memory_space<vmem>>
    tpu.enqueue_dma source(%dma_start3A_20 : memref<80x128xf32, #tpu.memory_space<vmem>>) target(%dma_start3A_16 : memref<80x128xf32, #tpu.memory_space<vmem_shared>>) target_semaphore(%arg19 : memref<!tpu.dma_semaphore, #tpu.memory_space<semaphore_mem>>)
    %add3A_21 = arith.constant 80 : i32
    %add3A_22 = arith.addi %mul3A_2, %add3A_21 : i32
    %dma_start3A_23 = arith.constant 2 : i32
    %dma_start3A_24 = arith.constant 0 : i32
    %dma_start3A_25 = arith.constant 0 : i32
    %dma_start3A_26 = tpu.memref_slice %arg10[%dma_start3A_23, %dma_start3A_24, %dma_start3A_25] : memref<3x80x128xf32, #tpu.memory_space<vmem>> -> memref<1x80x128xf32, #tpu.memory_space<vmem>>
    %dma_start3A_27 = tpu.memref_squeeze %dma_start3A_26 : memref<1x80x128xf32, #tpu.memory_space<vmem>> -> memref<80x128xf32, #tpu.memory_space<vmem>>
    %dma_start3A_28 = arith.constant 0 : i32
    %dma_start3A_29 = tpu.memref_slice %arg8[%add3A_22, %dma_start3A_28] : memref<10240x128xf32, #tpu.memory_space<vmem_shared>> -> memref<80x128xf32, #tpu.memory_space<vmem_shared>>
    %dma_start3A_30 = arith.constant 0 : i32
    %dma_start3A_31 = tpu.memref_slice %arg8[%add3A_22, %dma_start3A_30] : memref<10240x128xf32, #tpu.memory_space<vmem_shared>> -> memref<80x128xf32, #tpu.memory_space<vmem_shared>>
    %dma_start3A_32 = arith.constant 0 : i32
    %dma_start3A_33 = arith.constant 0 : i32
    %dma_start3A_34 = tpu.memref_slice %arg10[%dma_start3A_23, %dma_start3A_32, %dma_start3A_33] : memref<3x80x128xf32, #tpu.memory_space<vmem>> -> memref<1x80x128xf32, #tpu.memory_space<vmem>>
    %dma_start3A_35 = tpu.memref_squeeze %dma_start3A_34 : memref<1x80x128xf32, #tpu.memory_space<vmem>> -> memref<80x128xf32, #tpu.memory_space<vmem>>
    tpu.enqueue_dma source(%dma_start3A_35 : memref<80x128xf32, #tpu.memory_space<vmem>>) target(%dma_start3A_31 : memref<80x128xf32, #tpu.memory_space<vmem_shared>>) target_semaphore(%arg19 : memref<!tpu.dma_semaphore, #tpu.memory_space<semaphore_mem>>)
    %add3A_36 = arith.constant 160 : i32
    %add3A_37 = arith.addi %mul3A_2, %add3A_36 : i32
    %dma_start3A_38 = arith.constant 2 : i32
    %dma_start3A_39 = arith.constant 0 : i32
    %dma_start3A_40 = arith.constant 0 : i32
    %dma_start3A_41 = tpu.memref_slice %arg10[%dma_start3A_38, %dma_start3A_39, %dma_start3A_40] : memref<3x80x128xf32, #tpu.memory_space<vmem>> -> memref<1x80x128xf32, #tpu.memory_space<vmem>>
    %dma_start3A_42 = tpu.memref_squeeze %dma_start3A_41 : memref<1x80x128xf32, #tpu.memory_space<vmem>> -> memref<80x128xf32, #tpu.memory_space<vmem>>
    %dma_start3A_43 = arith.constant 0 : i32
    %dma_start3A_44 = tpu.memref_slice %arg8[%add3A_37, %dma_start3A_43] : memref<10240x128xf32, #tpu.memory_space<vmem_shared>> -> memref<80x128xf32, #tpu.memory_space<vmem_shared>>
    %dma_start3A_45 = arith.constant 0 : i32
    %dma_start3A_46 = tpu.memref_slice %arg8[%add3A_37, %dma_start3A_45] : memref<10240x128xf32, #tpu.memory_space<vmem_shared>> -> memref<80x128xf32, #tpu.memory_space<vmem_shared>>
    %dma_start3A_47 = arith.constant 0 : i32
    %dma_start3A_48 = arith.constant 0 : i32
    %dma_start3A_49 = tpu.memref_slice %arg10[%dma_start3A_38, %dma_start3A_47, %dma_start3A_48] : memref<3x80x128xf32, #tpu.memory_space<vmem>> -> memref<1x80x128xf32, #tpu.memory_space<vmem>>
    %dma_start3A_50 = tpu.memref_squeeze %dma_start3A_49 : memref<1x80x128xf32, #tpu.memory_space<vmem>> -> memref<80x128xf32, #tpu.memory_space<vmem>>
    tpu.enqueue_dma source(%dma_start3A_50 : memref<80x128xf32, #tpu.memory_space<vmem>>) target(%dma_start3A_46 : memref<80x128xf32, #tpu.memory_space<vmem_shared>>) target_semaphore(%arg19 : memref<!tpu.dma_semaphore, #tpu.memory_space<semaphore_mem>>)
    %add3A_51 = arith.constant 240 : i32
    %add3A_52 = arith.addi %mul3A_2, %add3A_51 : i32
    %dma_start3A_53 = arith.constant 2 : i32
    %dma_start3A_54 = arith.constant 0 : i32
    %dma_start3A_55 = arith.constant 0 : i32
    %dma_start3A_56 = tpu.memref_slice %arg10[%dma_start3A_53, %dma_start3A_54, %dma_start3A_55] : memref<3x80x128xf32, #tpu.memory_space<vmem>> -> memref<1x80x128xf32, #tpu.memory_space<vmem>>
    %dma_start3A_57 = tpu.memref_squeeze %dma_start3A_56 : memref<1x80x128xf32, #tpu.memory_space<vmem>> -> memref<80x128xf32, #tpu.memory_space<vmem>>
    %dma_start3A_58 = arith.constant 0 : i32
    %dma_start3A_59 = tpu.memref_slice %arg8[%add3A_52, %dma_start3A_58] : memref<10240x128xf32, #tpu.memory_space<vmem_shared>> -> memref<80x128xf32, #tpu.memory_space<vmem_shared>>
    %dma_start3A_60 = arith.constant 0 : i32
    %dma_start3A_61 = tpu.memref_slice %arg8[%add3A_52, %dma_start3A_60] : memref<10240x128xf32, #tpu.memory_space<vmem_shared>> -> memref<80x128xf32, #tpu.memory_space<vmem_shared>>
    %dma_start3A_62 = arith.constant 0 : i32
    %dma_start3A_63 = arith.constant 0 : i32
    %dma_start3A_64 = tpu.memref_slice %arg10[%dma_start3A_53, %dma_start3A_62, %dma_start3A_63] : memref<3x80x128xf32, #tpu.memory_space<vmem>> -> memref<1x80x128xf32, #tpu.memory_space<vmem>>
    %dma_start3A_65 = tpu.memref_squeeze %dma_start3A_64 : memref<1x80x128xf32, #tpu.memory_space<vmem>> -> memref<80x128xf32, #tpu.memory_space<vmem>>
    tpu.enqueue_dma source(%dma_start3A_65 : memref<80x128xf32, #tpu.memory_space<vmem>>) target(%dma_start3A_61 : memref<80x128xf32, #tpu.memory_space<vmem_shared>>) target_semaphore(%arg19 : memref<!tpu.dma_semaphore, #tpu.memory_space<semaphore_mem>>)
    %add3A_66 = arith.constant 320 : i32
    %add3A_67 = arith.addi %mul3A_2, %add3A_66 : i32
    %dma_start3A_68 = arith.constant 2 : i32
    %dma_start3A_69 = arith.constant 0 : i32
    %dma_start3A_70 = arith.constant 0 : i32
    %dma_start3A_71 = tpu.memref_slice %arg10[%dma_start3A_68, %dma_start3A_69, %dma_start3A_70] : memref<3x80x128xf32, #tpu.memory_space<vmem>> -> memref<1x80x128xf32, #tpu.memory_space<vmem>>
    %dma_start3A_72 = tpu.memref_squeeze %dma_start3A_71 : memref<1x80x128xf32, #tpu.memory_space<vmem>> -> memref<80x128xf32, #tpu.memory_space<vmem>>
    %dma_start3A_73 = arith.constant 0 : i32
    %dma_start3A_74 = tpu.memref_slice %arg8[%add3A_67, %dma_start3A_73] : memref<10240x128xf32, #tpu.memory_space<vmem_shared>> -> memref<80x128xf32, #tpu.memory_space<vmem_shared>>
    %dma_start3A_75 = arith.constant 0 : i32
    %dma_start3A_76 = tpu.memref_slice %arg8[%add3A_67, %dma_start3A_75] : memref<10240x128xf32, #tpu.memory_space<vmem_shared>> -> memref<80x128xf32, #tpu.memory_space<vmem_shared>>
    %dma_start3A_77 = arith.constant 0 : i32
    %dma_start3A_78 = arith.constant 0 : i32
    %dma_start3A_79 = tpu.memref_slice %arg10[%dma_start3A_68, %dma_start3A_77, %dma_start3A_78] : memref<3x80x128xf32, #tpu.memory_space<vmem>> -> memref<1x80x128xf32, #tpu.memory_space<vmem>>
    %dma_start3A_80 = tpu.memref_squeeze %dma_start3A_79 : memref<1x80x128xf32, #tpu.memory_space<vmem>> -> memref<80x128xf32, #tpu.memory_space<vmem>>
    tpu.enqueue_dma source(%dma_start3A_80 : memref<80x128xf32, #tpu.memory_space<vmem>>) target(%dma_start3A_76 : memref<80x128xf32, #tpu.memory_space<vmem_shared>>) target_semaphore(%arg19 : memref<!tpu.dma_semaphore, #tpu.memory_space<semaphore_mem>>)
    %add3A_81 = arith.constant 400 : i32
    %add3A_82 = arith.addi %mul3A_2, %add3A_81 : i32
    %dma_start3A_83 = arith.constant 2 : i32
    %dma_start3A_84 = arith.constant 0 : i32
    %dma_start3A_85 = arith.constant 0 : i32
    %dma_start3A_86 = tpu.memref_slice %arg10[%dma_start3A_83, %dma_start3A_84, %dma_start3A_85] : memref<3x80x128xf32, #tpu.memory_space<vmem>> -> memref<1x80x128xf32, #tpu.memory_space<vmem>>
    %dma_start3A_87 = tpu.memref_squeeze %dma_start3A_86 : memref<1x80x128xf32, #tpu.memory_space<vmem>> -> memref<80x128xf32, #tpu.memory_space<vmem>>
    %dma_start3A_88 = arith.constant 0 : i32
    %dma_start3A_89 = tpu.memref_slice %arg8[%add3A_82, %dma_start3A_88] : memref<10240x128xf32, #tpu.memory_space<vmem_shared>> -> memref<80x128xf32, #tpu.memory_space<vmem_shared>>
    %dma_start3A_90 = arith.constant 0 : i32
    %dma_start3A_91 = tpu.memref_slice %arg8[%add3A_82, %dma_start3A_90] : memref<10240x128xf32, #tpu.memory_space<vmem_shared>> -> memref<80x128xf32, #tpu.memory_space<vmem_shared>>
    %dma_start3A_92 = arith.constant 0 : i32
    %dma_start3A_93 = arith.constant 0 : i32
    %dma_start3A_94 = tpu.memref_slice %arg10[%dma_start3A_83, %dma_start3A_92, %dma_start3A_93] : memref<3x80x128xf32, #tpu.memory_space<vmem>> -> memref<1x80x128xf32, #tpu.memory_space<vmem>>
    %dma_start3A_95 = tpu.memref_squeeze %dma_start3A_94 : memref<1x80x128xf32, #tpu.memory_space<vmem>> -> memref<80x128xf32, #tpu.memory_space<vmem>>
    tpu.enqueue_dma source(%dma_start3A_95 : memref<80x128xf32, #tpu.memory_space<vmem>>) target(%dma_start3A_91 : memref<80x128xf32, #tpu.memory_space<vmem_shared>>) target_semaphore(%arg19 : memref<!tpu.dma_semaphore, #tpu.memory_space<semaphore_mem>>)
    %add3A_96 = arith.constant 480 : i32
    %add3A_97 = arith.addi %mul3A_2, %add3A_96 : i32
    %dma_start3A_98 = arith.constant 2 : i32
    %dma_start3A_99 = arith.constant 0 : i32
    %dma_start3A_100 = arith.constant 0 : i32
    %dma_start3A_101 = tpu.memref_slice %arg10[%dma_start3A_98, %dma_start3A_99, %dma_start3A_100] : memref<3x80x128xf32, #tpu.memory_space<vmem>> -> memref<1x80x128xf32, #tpu.memory_space<vmem>>
    %dma_start3A_102 = tpu.memref_squeeze %dma_start3A_101 : memref<1x80x128xf32, #tpu.memory_space<vmem>> -> memref<80x128xf32, #tpu.memory_space<vmem>>
    %dma_start3A_103 = arith.constant 0 : i32
    %dma_start3A_104 = tpu.memref_slice %arg8[%add3A_97, %dma_start3A_103] : memref<10240x128xf32, #tpu.memory_space<vmem_shared>> -> memref<80x128xf32, #tpu.memory_space<vmem_shared>>
    %dma_start3A_105 = arith.constant 0 : i32
    %dma_start3A_106 = tpu.memref_slice %arg8[%add3A_97, %dma_start3A_105] : memref<10240x128xf32, #tpu.memory_space<vmem_shared>> -> memref<80x128xf32, #tpu.memory_space<vmem_shared>>
    %dma_start3A_107 = arith.constant 0 : i32
    %dma_start3A_108 = arith.constant 0 : i32
    %dma_start3A_109 = tpu.memref_slice %arg10[%dma_start3A_98, %dma_start3A_107, %dma_start3A_108] : memref<3x80x128xf32, #tpu.memory_space<vmem>> -> memref<1x80x128xf32, #tpu.memory_space<vmem>>
    %dma_start3A_110 = tpu.memref_squeeze %dma_start3A_109 : memref<1x80x128xf32, #tpu.memory_space<vmem>> -> memref<80x128xf32, #tpu.memory_space<vmem>>
    tpu.enqueue_dma source(%dma_start3A_110 : memref<80x128xf32, #tpu.memory_space<vmem>>) target(%dma_start3A_106 : memref<80x128xf32, #tpu.memory_space<vmem_shared>>) target_semaphore(%arg19 : memref<!tpu.dma_semaphore, #tpu.memory_space<semaphore_mem>>)
    %add3A_111 = arith.constant 560 : i32
    %add3A_112 = arith.addi %mul3A_2, %add3A_111 : i32
    %dma_start3A_113 = arith.constant 2 : i32
    %dma_start3A_114 = arith.constant 0 : i32
    %dma_start3A_115 = arith.constant 0 : i32
    %dma_start3A_116 = tpu.memref_slice %arg10[%dma_start3A_113, %dma_start3A_114, %dma_start3A_115] : memref<3x80x128xf32, #tpu.memory_space<vmem>> -> memref<1x80x128xf32, #tpu.memory_space<vmem>>
    %dma_start3A_117 = tpu.memref_squeeze %dma_start3A_116 : memref<1x80x128xf32, #tpu.memory_space<vmem>> -> memref<80x128xf32, #tpu.memory_space<vmem>>
    %dma_start3A_118 = arith.constant 0 : i32
    %dma_start3A_119 = tpu.memref_slice %arg8[%add3A_112, %dma_start3A_118] : memref<10240x128xf32, #tpu.memory_space<vmem_shared>> -> memref<80x128xf32, #tpu.memory_space<vmem_shared>>
    %dma_start3A_120 = arith.constant 0 : i32
    %dma_start3A_121 = tpu.memref_slice %arg8[%add3A_112, %dma_start3A_120] : memref<10240x128xf32, #tpu.memory_space<vmem_shared>> -> memref<80x128xf32, #tpu.memory_space<vmem_shared>>
    %dma_start3A_122 = arith.constant 0 : i32
    %dma_start3A_123 = arith.constant 0 : i32
    %dma_start3A_124 = tpu.memref_slice %arg10[%dma_start3A_113, %dma_start3A_122, %dma_start3A_123] : memref<3x80x128xf32, #tpu.memory_space<vmem>> -> memref<1x80x128xf32, #tpu.memory_space<vmem>>
    %dma_start3A_125 = tpu.memref_squeeze %dma_start3A_124 : memref<1x80x128xf32, #tpu.memory_space<vmem>> -> memref<80x128xf32, #tpu.memory_space<vmem>>
    tpu.enqueue_dma source(%dma_start3A_125 : memref<80x128xf32, #tpu.memory_space<vmem>>) target(%dma_start3A_121 : memref<80x128xf32, #tpu.memory_space<vmem_shared>>) target_semaphore(%arg19 : memref<!tpu.dma_semaphore, #tpu.memory_space<semaphore_mem>>)
    tpu.wait_dma2 semaphore(%arg18 : memref<!tpu.dma_semaphore, #tpu.memory_space<semaphore_mem>>) src(%arg5 : memref<10240xf32, #tpu.memory_space<hbm>>) dst(%arg9 : memref<10240xf32, #tpu.memory_space<vmem>>)
    %add3A_126 = arith.constant 0 : i32
    %add3A_127 = arith.addi %mul3A_2, %add3A_126 : i32
    %dma_wait3A = arith.constant 2 : i32
    %dma_wait3A_128 = arith.constant 0 : i32
    %dma_wait3A_129 = arith.constant 0 : i32
    %dma_wait3A_130 = tpu.memref_slice %arg10[%dma_wait3A, %dma_wait3A_128, %dma_wait3A_129] : memref<3x80x128xf32, #tpu.memory_space<vmem>> -> memref<1x80x128xf32, #tpu.memory_space<vmem>>
    %dma_wait3A_131 = tpu.memref_squeeze %dma_wait3A_130 : memref<1x80x128xf32, #tpu.memory_space<vmem>> -> memref<80x128xf32, #tpu.memory_space<vmem>>
    %dma_wait3A_132 = arith.constant 0 : i32
    %dma_wait3A_133 = tpu.memref_slice %arg8[%add3A_127, %dma_wait3A_132] : memref<10240x128xf32, #tpu.memory_space<vmem_shared>> -> memref<80x128xf32, #tpu.memory_space<vmem_shared>>
    %dma_wait3A_134 = arith.constant 0 : i32
    %dma_wait3A_135 = tpu.memref_slice %arg8[%add3A_127, %dma_wait3A_134] : memref<10240x128xf32, #tpu.memory_space<vmem_shared>> -> memref<80x128xf32, #tpu.memory_space<vmem_shared>>
    %dma_wait3A_136 = arith.constant 0 : i32
    %dma_wait3A_137 = arith.constant 0 : i32
    %dma_wait3A_138 = tpu.memref_slice %arg10[%dma_wait3A, %dma_wait3A_136, %dma_wait3A_137] : memref<3x80x128xf32, #tpu.memory_space<vmem>> -> memref<1x80x128xf32, #tpu.memory_space<vmem>>
    %dma_wait3A_139 = tpu.memref_squeeze %dma_wait3A_138 : memref<1x80x128xf32, #tpu.memory_space<vmem>> -> memref<80x128xf32, #tpu.memory_space<vmem>>
    tpu.wait_dma2 semaphore(%arg19 : memref<!tpu.dma_semaphore, #tpu.memory_space<semaphore_mem>>) src(%dma_wait3A_139 : memref<80x128xf32, #tpu.memory_space<vmem>>) dst(%dma_wait3A_135 : memref<80x128xf32, #tpu.memory_space<vmem_shared>>)
    %add3A_140 = arith.constant 80 : i32
    %add3A_141 = arith.addi %mul3A_2, %add3A_140 : i32
    %dma_wait3A_142 = arith.constant 2 : i32
    %dma_wait3A_143 = arith.constant 0 : i32
    %dma_wait3A_144 = arith.constant 0 : i32
    %dma_wait3A_145 = tpu.memref_slice %arg10[%dma_wait3A_142, %dma_wait3A_143, %dma_wait3A_144] : memref<3x80x128xf32, #tpu.memory_space<vmem>> -> memref<1x80x128xf32, #tpu.memory_space<vmem>>
    %dma_wait3A_146 = tpu.memref_squeeze %dma_wait3A_145 : memref<1x80x128xf32, #tpu.memory_space<vmem>> -> memref<80x128xf32, #tpu.memory_space<vmem>>
    %dma_wait3A_147 = arith.constant 0 : i32
    %dma_wait3A_148 = tpu.memref_slice %arg8[%add3A_141, %dma_wait3A_147] : memref<10240x128xf32, #tpu.memory_space<vmem_shared>> -> memref<80x128xf32, #tpu.memory_space<vmem_shared>>
    %dma_wait3A_149 = arith.constant 0 : i32
    %dma_wait3A_150 = tpu.memref_slice %arg8[%add3A_141, %dma_wait3A_149] : memref<10240x128xf32, #tpu.memory_space<vmem_shared>> -> memref<80x128xf32, #tpu.memory_space<vmem_shared>>
    %dma_wait3A_151 = arith.constant 0 : i32
    %dma_wait3A_152 = arith.constant 0 : i32
    %dma_wait3A_153 = tpu.memref_slice %arg10[%dma_wait3A_142, %dma_wait3A_151, %dma_wait3A_152] : memref<3x80x128xf32, #tpu.memory_space<vmem>> -> memref<1x80x128xf32, #tpu.memory_space<vmem>>
    %dma_wait3A_154 = tpu.memref_squeeze %dma_wait3A_153 : memref<1x80x128xf32, #tpu.memory_space<vmem>> -> memref<80x128xf32, #tpu.memory_space<vmem>>
    tpu.wait_dma2 semaphore(%arg19 : memref<!tpu.dma_semaphore, #tpu.memory_space<semaphore_mem>>) src(%dma_wait3A_154 : memref<80x128xf32, #tpu.memory_space<vmem>>) dst(%dma_wait3A_150 : memref<80x128xf32, #tpu.memory_space<vmem_shared>>)
    %add3A_155 = arith.constant 160 : i32
    %add3A_156 = arith.addi %mul3A_2, %add3A_155 : i32
    %dma_wait3A_157 = arith.constant 2 : i32
    %dma_wait3A_158 = arith.constant 0 : i32
    %dma_wait3A_159 = arith.constant 0 : i32
    %dma_wait3A_160 = tpu.memref_slice %arg10[%dma_wait3A_157, %dma_wait3A_158, %dma_wait3A_159] : memref<3x80x128xf32, #tpu.memory_space<vmem>> -> memref<1x80x128xf32, #tpu.memory_space<vmem>>
    %dma_wait3A_161 = tpu.memref_squeeze %dma_wait3A_160 : memref<1x80x128xf32, #tpu.memory_space<vmem>> -> memref<80x128xf32, #tpu.memory_space<vmem>>
    %dma_wait3A_162 = arith.constant 0 : i32
    %dma_wait3A_163 = tpu.memref_slice %arg8[%add3A_156, %dma_wait3A_162] : memref<10240x128xf32, #tpu.memory_space<vmem_shared>> -> memref<80x128xf32, #tpu.memory_space<vmem_shared>>
    %dma_wait3A_164 = arith.constant 0 : i32
    %dma_wait3A_165 = tpu.memref_slice %arg8[%add3A_156, %dma_wait3A_164] : memref<10240x128xf32, #tpu.memory_space<vmem_shared>> -> memref<80x128xf32, #tpu.memory_space<vmem_shared>>
    %dma_wait3A_166 = arith.constant 0 : i32
    %dma_wait3A_167 = arith.constant 0 : i32
    %dma_wait3A_168 = tpu.memref_slice %arg10[%dma_wait3A_157, %dma_wait3A_166, %dma_wait3A_167] : memref<3x80x128xf32, #tpu.memory_space<vmem>> -> memref<1x80x128xf32, #tpu.memory_space<vmem>>
    %dma_wait3A_169 = tpu.memref_squeeze %dma_wait3A_168 : memref<1x80x128xf32, #tpu.memory_space<vmem>> -> memref<80x128xf32, #tpu.memory_space<vmem>>
    tpu.wait_dma2 semaphore(%arg19 : memref<!tpu.dma_semaphore, #tpu.memory_space<semaphore_mem>>) src(%dma_wait3A_169 : memref<80x128xf32, #tpu.memory_space<vmem>>) dst(%dma_wait3A_165 : memref<80x128xf32, #tpu.memory_space<vmem_shared>>)
    %add3A_170 = arith.constant 240 : i32
    %add3A_171 = arith.addi %mul3A_2, %add3A_170 : i32
    %dma_wait3A_172 = arith.constant 2 : i32
    %dma_wait3A_173 = arith.constant 0 : i32
    %dma_wait3A_174 = arith.constant 0 : i32
    %dma_wait3A_175 = tpu.memref_slice %arg10[%dma_wait3A_172, %dma_wait3A_173, %dma_wait3A_174] : memref<3x80x128xf32, #tpu.memory_space<vmem>> -> memref<1x80x128xf32, #tpu.memory_space<vmem>>
    %dma_wait3A_176 = tpu.memref_squeeze %dma_wait3A_175 : memref<1x80x128xf32, #tpu.memory_space<vmem>> -> memref<80x128xf32, #tpu.memory_space<vmem>>
    %dma_wait3A_177 = arith.constant 0 : i32
    %dma_wait3A_178 = tpu.memref_slice %arg8[%add3A_171, %dma_wait3A_177] : memref<10240x128xf32, #tpu.memory_space<vmem_shared>> -> memref<80x128xf32, #tpu.memory_space<vmem_shared>>
    %dma_wait3A_179 = arith.constant 0 : i32
    %dma_wait3A_180 = tpu.memref_slice %arg8[%add3A_171, %dma_wait3A_179] : memref<10240x128xf32, #tpu.memory_space<vmem_shared>> -> memref<80x128xf32, #tpu.memory_space<vmem_shared>>
    %dma_wait3A_181 = arith.constant 0 : i32
    %dma_wait3A_182 = arith.constant 0 : i32
    %dma_wait3A_183 = tpu.memref_slice %arg10[%dma_wait3A_172, %dma_wait3A_181, %dma_wait3A_182] : memref<3x80x128xf32, #tpu.memory_space<vmem>> -> memref<1x80x128xf32, #tpu.memory_space<vmem>>
    %dma_wait3A_184 = tpu.memref_squeeze %dma_wait3A_183 : memref<1x80x128xf32, #tpu.memory_space<vmem>> -> memref<80x128xf32, #tpu.memory_space<vmem>>
    tpu.wait_dma2 semaphore(%arg19 : memref<!tpu.dma_semaphore, #tpu.memory_space<semaphore_mem>>) src(%dma_wait3A_184 : memref<80x128xf32, #tpu.memory_space<vmem>>) dst(%dma_wait3A_180 : memref<80x128xf32, #tpu.memory_space<vmem_shared>>)
    %add3A_185 = arith.constant 320 : i32
    %add3A_186 = arith.addi %mul3A_2, %add3A_185 : i32
    %dma_wait3A_187 = arith.constant 2 : i32
    %dma_wait3A_188 = arith.constant 0 : i32
    %dma_wait3A_189 = arith.constant 0 : i32
    %dma_wait3A_190 = tpu.memref_slice %arg10[%dma_wait3A_187, %dma_wait3A_188, %dma_wait3A_189] : memref<3x80x128xf32, #tpu.memory_space<vmem>> -> memref<1x80x128xf32, #tpu.memory_space<vmem>>
    %dma_wait3A_191 = tpu.memref_squeeze %dma_wait3A_190 : memref<1x80x128xf32, #tpu.memory_space<vmem>> -> memref<80x128xf32, #tpu.memory_space<vmem>>
    %dma_wait3A_192 = arith.constant 0 : i32
    %dma_wait3A_193 = tpu.memref_slice %arg8[%add3A_186, %dma_wait3A_192] : memref<10240x128xf32, #tpu.memory_space<vmem_shared>> -> memref<80x128xf32, #tpu.memory_space<vmem_shared>>
    %dma_wait3A_194 = arith.constant 0 : i32
    %dma_wait3A_195 = tpu.memref_slice %arg8[%add3A_186, %dma_wait3A_194] : memref<10240x128xf32, #tpu.memory_space<vmem_shared>> -> memref<80x128xf32, #tpu.memory_space<vmem_shared>>
    %dma_wait3A_196 = arith.constant 0 : i32
    %dma_wait3A_197 = arith.constant 0 : i32
    %dma_wait3A_198 = tpu.memref_slice %arg10[%dma_wait3A_187, %dma_wait3A_196, %dma_wait3A_197] : memref<3x80x128xf32, #tpu.memory_space<vmem>> -> memref<1x80x128xf32, #tpu.memory_space<vmem>>
    %dma_wait3A_199 = tpu.memref_squeeze %dma_wait3A_198 : memref<1x80x128xf32, #tpu.memory_space<vmem>> -> memref<80x128xf32, #tpu.memory_space<vmem>>
    tpu.wait_dma2 semaphore(%arg19 : memref<!tpu.dma_semaphore, #tpu.memory_space<semaphore_mem>>) src(%dma_wait3A_199 : memref<80x128xf32, #tpu.memory_space<vmem>>) dst(%dma_wait3A_195 : memref<80x128xf32, #tpu.memory_space<vmem_shared>>)
    %add3A_200 = arith.constant 400 : i32
    %add3A_201 = arith.addi %mul3A_2, %add3A_200 : i32
    %dma_wait3A_202 = arith.constant 2 : i32
    %dma_wait3A_203 = arith.constant 0 : i32
    %dma_wait3A_204 = arith.constant 0 : i32
    %dma_wait3A_205 = tpu.memref_slice %arg10[%dma_wait3A_202, %dma_wait3A_203, %dma_wait3A_204] : memref<3x80x128xf32, #tpu.memory_space<vmem>> -> memref<1x80x128xf32, #tpu.memory_space<vmem>>
    %dma_wait3A_206 = tpu.memref_squeeze %dma_wait3A_205 : memref<1x80x128xf32, #tpu.memory_space<vmem>> -> memref<80x128xf32, #tpu.memory_space<vmem>>
    %dma_wait3A_207 = arith.constant 0 : i32
    %dma_wait3A_208 = tpu.memref_slice %arg8[%add3A_201, %dma_wait3A_207] : memref<10240x128xf32, #tpu.memory_space<vmem_shared>> -> memref<80x128xf32, #tpu.memory_space<vmem_shared>>
    %dma_wait3A_209 = arith.constant 0 : i32
    %dma_wait3A_210 = tpu.memref_slice %arg8[%add3A_201, %dma_wait3A_209] : memref<10240x128xf32, #tpu.memory_space<vmem_shared>> -> memref<80x128xf32, #tpu.memory_space<vmem_shared>>
    %dma_wait3A_211 = arith.constant 0 : i32
    %dma_wait3A_212 = arith.constant 0 : i32
    %dma_wait3A_213 = tpu.memref_slice %arg10[%dma_wait3A_202, %dma_wait3A_211, %dma_wait3A_212] : memref<3x80x128xf32, #tpu.memory_space<vmem>> -> memref<1x80x128xf32, #tpu.memory_space<vmem>>
    %dma_wait3A_214 = tpu.memref_squeeze %dma_wait3A_213 : memref<1x80x128xf32, #tpu.memory_space<vmem>> -> memref<80x128xf32, #tpu.memory_space<vmem>>
    tpu.wait_dma2 semaphore(%arg19 : memref<!tpu.dma_semaphore, #tpu.memory_space<semaphore_mem>>) src(%dma_wait3A_214 : memref<80x128xf32, #tpu.memory_space<vmem>>) dst(%dma_wait3A_210 : memref<80x128xf32, #tpu.memory_space<vmem_shared>>)
    %add3A_215 = arith.constant 480 : i32
    %add3A_216 = arith.addi %mul3A_2, %add3A_215 : i32
    %dma_wait3A_217 = arith.constant 2 : i32
    %dma_wait3A_218 = arith.constant 0 : i32
    %dma_wait3A_219 = arith.constant 0 : i32
    %dma_wait3A_220 = tpu.memref_slice %arg10[%dma_wait3A_217, %dma_wait3A_218, %dma_wait3A_219] : memref<3x80x128xf32, #tpu.memory_space<vmem>> -> memref<1x80x128xf32, #tpu.memory_space<vmem>>
    %dma_wait3A_221 = tpu.memref_squeeze %dma_wait3A_220 : memref<1x80x128xf32, #tpu.memory_space<vmem>> -> memref<80x128xf32, #tpu.memory_space<vmem>>
    %dma_wait3A_222 = arith.constant 0 : i32
    %dma_wait3A_223 = tpu.memref_slice %arg8[%add3A_216, %dma_wait3A_222] : memref<10240x128xf32, #tpu.memory_space<vmem_shared>> -> memref<80x128xf32, #tpu.memory_space<vmem_shared>>
    %dma_wait3A_224 = arith.constant 0 : i32
    %dma_wait3A_225 = tpu.memref_slice %arg8[%add3A_216, %dma_wait3A_224] : memref<10240x128xf32, #tpu.memory_space<vmem_shared>> -> memref<80x128xf32, #tpu.memory_space<vmem_shared>>
    %dma_wait3A_226 = arith.constant 0 : i32
    %dma_wait3A_227 = arith.constant 0 : i32
    %dma_wait3A_228 = tpu.memref_slice %arg10[%dma_wait3A_217, %dma_wait3A_226, %dma_wait3A_227] : memref<3x80x128xf32, #tpu.memory_space<vmem>> -> memref<1x80x128xf32, #tpu.memory_space<vmem>>
    %dma_wait3A_229 = tpu.memref_squeeze %dma_wait3A_228 : memref<1x80x128xf32, #tpu.memory_space<vmem>> -> memref<80x128xf32, #tpu.memory_space<vmem>>
    tpu.wait_dma2 semaphore(%arg19 : memref<!tpu.dma_semaphore, #tpu.memory_space<semaphore_mem>>) src(%dma_wait3A_229 : memref<80x128xf32, #tpu.memory_space<vmem>>) dst(%dma_wait3A_225 : memref<80x128xf32, #tpu.memory_space<vmem_shared>>)
    %add3A_230 = arith.constant 560 : i32
    %add3A_231 = arith.addi %mul3A_2, %add3A_230 : i32
    %dma_wait3A_232 = arith.constant 2 : i32
    %dma_wait3A_233 = arith.constant 0 : i32
    %dma_wait3A_234 = arith.constant 0 : i32
    %dma_wait3A_235 = tpu.memref_slice %arg10[%dma_wait3A_232, %dma_wait3A_233, %dma_wait3A_234] : memref<3x80x128xf32, #tpu.memory_space<vmem>> -> memref<1x80x128xf32, #tpu.memory_space<vmem>>
    %dma_wait3A_236 = tpu.memref_squeeze %dma_wait3A_235 : memref<1x80x128xf32, #tpu.memory_space<vmem>> -> memref<80x128xf32, #tpu.memory_space<vmem>>
    %dma_wait3A_237 = arith.constant 0 : i32
    %dma_wait3A_238 = tpu.memref_slice %arg8[%add3A_231, %dma_wait3A_237] : memref<10240x128xf32, #tpu.memory_space<vmem_shared>> -> memref<80x128xf32, #tpu.memory_space<vmem_shared>>
    %dma_wait3A_239 = arith.constant 0 : i32
    %dma_wait3A_240 = tpu.memref_slice %arg8[%add3A_231, %dma_wait3A_239] : memref<10240x128xf32, #tpu.memory_space<vmem_shared>> -> memref<80x128xf32, #tpu.memory_space<vmem_shared>>
    %dma_wait3A_241 = arith.constant 0 : i32
    %dma_wait3A_242 = arith.constant 0 : i32
    %dma_wait3A_243 = tpu.memref_slice %arg10[%dma_wait3A_232, %dma_wait3A_241, %dma_wait3A_242] : memref<3x80x128xf32, #tpu.memory_space<vmem>> -> memref<1x80x128xf32, #tpu.memory_space<vmem>>
    %dma_wait3A_244 = tpu.memref_squeeze %dma_wait3A_243 : memref<1x80x128xf32, #tpu.memory_space<vmem>> -> memref<80x128xf32, #tpu.memory_space<vmem>>
    tpu.wait_dma2 semaphore(%arg19 : memref<!tpu.dma_semaphore, #tpu.memory_space<semaphore_mem>>) src(%dma_wait3A_244 : memref<80x128xf32, #tpu.memory_space<vmem>>) dst(%dma_wait3A_240 : memref<80x128xf32, #tpu.memory_space<vmem_shared>>)
    %barrier3A = arith.constant 0 : index
    tpu.barrier barrier_id(%barrier3A)
    %scan3A = arith.constant 0 : i32
    %scan3A_245 = arith.constant 0 : i32
    %scan3A_246 = arith.constant 43 : i32
    %scan3A_247 = arith.addi %scan3A_245, %scan3A_246 : i32
    %scan3A_248 = arith.constant 1 : i32
    %scan3A_249 = scf.for %scan3A_741 = %scan3A_245 to %scan3A_247 step %scan3A_248 iter_args(%scan3A_742 = %scan3A) -> (i32)  : i32 {
      %mul3A_743 = arith.constant 3 : i32
      %mul3A_744 = arith.muli %mul3A_743, %scan3A_741 : i32
      %sub3A = arith.constant 2 : i32
      %sub3A_745 = arith.subi %mul3A_744, %sub3A : i32
      %mul3A_746 = arith.constant 32 : i32
      %mul3A_747 = arith.muli %mul3A_746, %sub3A_745 : i32
      %add3A_748 = arith.addi %add3A, %mul3A_747 : i32
      %ge3A = arith.constant 0 : i32
      %ge3A_749 = arith.cmpi sge, %sub3A_745, %ge3A : i32
      %lt3A_750 = arith.constant 4000 : i32
      %lt3A_751 = arith.cmpi slt, %add3A_748, %lt3A_750 : i32
      %and3A = arith.andi %ge3A_749, %lt3A_751 : i1
      %convert_element_type3A_752 = arith.extui %and3A : i1 to i32
      %cond3A_753 = arith.constant 0 : i32
      %cond3A_754 = arith.cmpi ne, %convert_element_type3A_752, %cond3A_753 : i32
      scf.if %cond3A_754 {
        %dma_wait3A_840 = arith.constant 1 : i32
        %dma_wait3A_841 = arith.constant 1 : i32
        %dma_wait3A_842 = arith.constant 0 : i32
        %dma_wait3A_843 = arith.constant 0 : i32
        %dma_wait3A_844 = tpu.memref_slice %arg10[%dma_wait3A_840, %dma_wait3A_842, %dma_wait3A_843] : memref<3x80x128xf32, #tpu.memory_space<vmem>> -> memref<1x80x128xf32, #tpu.memory_space<vmem>>
        %dma_wait3A_845 = tpu.memref_squeeze %dma_wait3A_844 : memref<1x80x128xf32, #tpu.memory_space<vmem>> -> memref<80x128xf32, #tpu.memory_space<vmem>>
        %dma_wait3A_846 = arith.constant 0 : i32
        %dma_wait3A_847 = tpu.memref_slice %arg11[%dma_wait3A_841, %dma_wait3A_846] : memref<3x80xi32, #tpu.memory_space<vmem>> -> memref<1x80xi32, #tpu.memory_space<vmem>>
        %dma_wait3A_848 = tpu.memref_squeeze %dma_wait3A_847 : memref<1x80xi32, #tpu.memory_space<vmem>> -> memref<80xi32, #tpu.memory_space<vmem>>
        %dma_wait3A_849 = arith.constant 0 : i32
        %dma_wait3A_850 = arith.constant 0 : i32
        %dma_wait3A_851 = tpu.memref_slice %arg8[%dma_wait3A_849, %dma_wait3A_850] : memref<10240x128xf32, #tpu.memory_space<vmem_shared>> -> memref<10240x128xf32, #tpu.memory_space<vmem_shared>>
        tpu.wait_indirect_dma semaphore(%arg19 : memref<!tpu.dma_semaphore, #tpu.memory_space<semaphore_mem>>) src(%dma_wait3A_845 : memref<80x128xf32, #tpu.memory_space<vmem>>) dst(%dma_wait3A_851 : memref<10240x128xf32, #tpu.memory_space<vmem_shared>>)
      } else {
      }
      %add3A_755 = arith.constant 1 : i32
      %add3A_756 = arith.addi %mul3A_744, %add3A_755 : i32
      %mul3A_757 = arith.constant 32 : i32
      %mul3A_758 = arith.muli %mul3A_757, %add3A_756 : i32
      %add3A_759 = arith.addi %add3A, %mul3A_758 : i32
      %lt3A_760 = arith.constant 4000 : i32
      %lt3A_761 = arith.cmpi slt, %add3A_759, %lt3A_760 : i32
      %convert_element_type3A_762 = arith.extui %lt3A_761 : i1 to i32
      %cond3A_763 = arith.constant 0 : i32
      %cond3A_764 = arith.cmpi ne, %convert_element_type3A_762, %cond3A_763 : i32
      scf.if %cond3A_764 {
        %mul3A_840 = arith.constant 80 : i32
        %mul3A_841 = arith.muli %add3A_759, %mul3A_840 : i32
        %dma_start3A_842 = arith.constant 1 : i32
        %dma_start3A_843 = arith.constant 0 : i32
        %dma_start3A_844 = tpu.memref_slice %arg11[%dma_start3A_842, %dma_start3A_843] : memref<3x80xi32, #tpu.memory_space<vmem>> -> memref<1x80xi32, #tpu.memory_space<vmem>>
        %dma_start3A_845 = tpu.memref_squeeze %dma_start3A_844 : memref<1x80xi32, #tpu.memory_space<vmem>> -> memref<80xi32, #tpu.memory_space<vmem>>
        %dma_start3A_846 = tpu.memref_slice %arg3[%mul3A_841] : memref<320000xi32, #tpu.memory_space<hbm>> -> memref<80xi32, #tpu.memory_space<hbm>>
        %dma_start3A_847 = arith.constant 0 : i32
        %dma_start3A_848 = tpu.memref_slice %arg11[%dma_start3A_842, %dma_start3A_847] : memref<3x80xi32, #tpu.memory_space<vmem>> -> memref<1x80xi32, #tpu.memory_space<vmem>>
        %dma_start3A_849 = tpu.memref_squeeze %dma_start3A_848 : memref<1x80xi32, #tpu.memory_space<vmem>> -> memref<80xi32, #tpu.memory_space<vmem>>
        %dma_start3A_850 = tpu.memref_slice %arg3[%mul3A_841] : memref<320000xi32, #tpu.memory_space<hbm>> -> memref<80xi32, #tpu.memory_space<hbm>>
        tpu.enqueue_dma source(%dma_start3A_850 : memref<80xi32, #tpu.memory_space<hbm>>) target(%dma_start3A_849 : memref<80xi32, #tpu.memory_space<vmem>>) target_semaphore(%arg13 : memref<!tpu.dma_semaphore, #tpu.memory_space<semaphore_mem>>)
        %dma_start3A_851 = arith.constant 1 : i32
        %dma_start3A_852 = arith.constant 0 : i32
        %dma_start3A_853 = arith.constant 0 : i32
        %dma_start3A_854 = tpu.memref_slice %arg10[%dma_start3A_851, %dma_start3A_852, %dma_start3A_853] : memref<3x80x128xf32, #tpu.memory_space<vmem>> -> memref<1x80x128xf32, #tpu.memory_space<vmem>>
        %dma_start3A_855 = tpu.memref_squeeze %dma_start3A_854 : memref<1x80x128xf32, #tpu.memory_space<vmem>> -> memref<80x128xf32, #tpu.memory_space<vmem>>
        %dma_start3A_856 = arith.constant 0 : i32
        %dma_start3A_857 = tpu.memref_slice %arg2[%mul3A_841, %dma_start3A_856] : memref<320000x128xf32, #tpu.memory_space<hbm>> -> memref<80x128xf32, #tpu.memory_space<hbm>>
        %dma_start3A_858 = arith.constant 0 : i32
        %dma_start3A_859 = arith.constant 0 : i32
        %dma_start3A_860 = tpu.memref_slice %arg10[%dma_start3A_851, %dma_start3A_858, %dma_start3A_859] : memref<3x80x128xf32, #tpu.memory_space<vmem>> -> memref<1x80x128xf32, #tpu.memory_space<vmem>>
        %dma_start3A_861 = tpu.memref_squeeze %dma_start3A_860 : memref<1x80x128xf32, #tpu.memory_space<vmem>> -> memref<80x128xf32, #tpu.memory_space<vmem>>
        %dma_start3A_862 = arith.constant 0 : i32
        %dma_start3A_863 = tpu.memref_slice %arg2[%mul3A_841, %dma_start3A_862] : memref<320000x128xf32, #tpu.memory_space<hbm>> -> memref<80x128xf32, #tpu.memory_space<hbm>>
        tpu.enqueue_dma source(%dma_start3A_863 : memref<80x128xf32, #tpu.memory_space<hbm>>) target(%dma_start3A_861 : memref<80x128xf32, #tpu.memory_space<vmem>>) target_semaphore(%arg16 : memref<!tpu.dma_semaphore, #tpu.memory_space<semaphore_mem>>)
      } else {
      }
      %mul3A_765 = arith.constant 32 : i32
      %mul3A_766 = arith.muli %mul3A_765, %mul3A_744 : i32
      %add3A_767 = arith.addi %add3A, %mul3A_766 : i32
      %lt3A_768 = arith.constant 4000 : i32
      %lt3A_769 = arith.cmpi slt, %add3A_767, %lt3A_768 : i32
      %convert_element_type3A_770 = arith.extui %lt3A_769 : i1 to i32
      %cond3A_771 = arith.constant 0 : i32
      %cond3A_772 = arith.cmpi ne, %convert_element_type3A_770, %cond3A_771 : i32
      scf.if %cond3A_772 {
        %mul3A_840 = arith.constant 80 : i32
        %mul3A_841 = arith.muli %add3A_767, %mul3A_840 : i32
        %dma_wait3A_842 = arith.constant 0 : i32
        %dma_wait3A_843 = arith.constant 0 : i32
        %dma_wait3A_844 = tpu.memref_slice %arg11[%dma_wait3A_842, %dma_wait3A_843] : memref<3x80xi32, #tpu.memory_space<vmem>> -> memref<1x80xi32, #tpu.memory_space<vmem>>
        %dma_wait3A_845 = tpu.memref_squeeze %dma_wait3A_844 : memref<1x80xi32, #tpu.memory_space<vmem>> -> memref<80xi32, #tpu.memory_space<vmem>>
        %dma_wait3A_846 = tpu.memref_slice %arg3[%mul3A_841] : memref<320000xi32, #tpu.memory_space<hbm>> -> memref<80xi32, #tpu.memory_space<hbm>>
        %dma_wait3A_847 = arith.constant 0 : i32
        %dma_wait3A_848 = tpu.memref_slice %arg11[%dma_wait3A_842, %dma_wait3A_847] : memref<3x80xi32, #tpu.memory_space<vmem>> -> memref<1x80xi32, #tpu.memory_space<vmem>>
        %dma_wait3A_849 = tpu.memref_squeeze %dma_wait3A_848 : memref<1x80xi32, #tpu.memory_space<vmem>> -> memref<80xi32, #tpu.memory_space<vmem>>
        %dma_wait3A_850 = tpu.memref_slice %arg3[%mul3A_841] : memref<320000xi32, #tpu.memory_space<hbm>> -> memref<80xi32, #tpu.memory_space<hbm>>
        tpu.wait_dma2 semaphore(%arg12 : memref<!tpu.dma_semaphore, #tpu.memory_space<semaphore_mem>>) src(%dma_wait3A_850 : memref<80xi32, #tpu.memory_space<hbm>>) dst(%dma_wait3A_849 : memref<80xi32, #tpu.memory_space<vmem>>)
        %dma_wait3A_851 = arith.constant 0 : i32
        %dma_wait3A_852 = arith.constant 0 : i32
        %dma_wait3A_853 = arith.constant 0 : i32
        %dma_wait3A_854 = tpu.memref_slice %arg10[%dma_wait3A_851, %dma_wait3A_852, %dma_wait3A_853] : memref<3x80x128xf32, #tpu.memory_space<vmem>> -> memref<1x80x128xf32, #tpu.memory_space<vmem>>
        %dma_wait3A_855 = tpu.memref_squeeze %dma_wait3A_854 : memref<1x80x128xf32, #tpu.memory_space<vmem>> -> memref<80x128xf32, #tpu.memory_space<vmem>>
        %dma_wait3A_856 = arith.constant 0 : i32
        %dma_wait3A_857 = tpu.memref_slice %arg2[%mul3A_841, %dma_wait3A_856] : memref<320000x128xf32, #tpu.memory_space<hbm>> -> memref<80x128xf32, #tpu.memory_space<hbm>>
        %dma_wait3A_858 = arith.constant 0 : i32
        %dma_wait3A_859 = arith.constant 0 : i32
        %dma_wait3A_860 = tpu.memref_slice %arg10[%dma_wait3A_851, %dma_wait3A_858, %dma_wait3A_859] : memref<3x80x128xf32, #tpu.memory_space<vmem>> -> memref<1x80x128xf32, #tpu.memory_space<vmem>>
        %dma_wait3A_861 = tpu.memref_squeeze %dma_wait3A_860 : memref<1x80x128xf32, #tpu.memory_space<vmem>> -> memref<80x128xf32, #tpu.memory_space<vmem>>
        %dma_wait3A_862 = arith.constant 0 : i32
        %dma_wait3A_863 = tpu.memref_slice %arg2[%mul3A_841, %dma_wait3A_862] : memref<320000x128xf32, #tpu.memory_space<hbm>> -> memref<80x128xf32, #tpu.memory_space<hbm>>
        tpu.wait_dma2 semaphore(%arg15 : memref<!tpu.dma_semaphore, #tpu.memory_space<semaphore_mem>>) src(%dma_wait3A_863 : memref<80x128xf32, #tpu.memory_space<hbm>>) dst(%dma_wait3A_861 : memref<80x128xf32, #tpu.memory_space<vmem>>)
        %dma_start3A_864 = arith.constant 0 : i32
        %dma_start3A_865 = arith.constant 0 : i32
        %dma_start3A_866 = arith.constant 0 : i32
        %dma_start3A_867 = arith.constant 0 : i32
        %dma_start3A_868 = tpu.memref_slice %arg10[%dma_start3A_864, %dma_start3A_866, %dma_start3A_867] : memref<3x80x128xf32, #tpu.memory_space<vmem>> -> memref<1x80x128xf32, #tpu.memory_space<vmem>>
        %dma_start3A_869 = tpu.memref_squeeze %dma_start3A_868 : memref<1x80x128xf32, #tpu.memory_space<vmem>> -> memref<80x128xf32, #tpu.memory_space<vmem>>
        %dma_start3A_870 = arith.constant 0 : i32
        %dma_start3A_871 = tpu.memref_slice %arg11[%dma_start3A_865, %dma_start3A_870] : memref<3x80xi32, #tpu.memory_space<vmem>> -> memref<1x80xi32, #tpu.memory_space<vmem>>
        %dma_start3A_872 = tpu.memref_squeeze %dma_start3A_871 : memref<1x80xi32, #tpu.memory_space<vmem>> -> memref<80xi32, #tpu.memory_space<vmem>>
        %dma_start3A_873 = arith.constant 0 : i32
        %dma_start3A_874 = arith.constant 0 : i32
        %dma_start3A_875 = tpu.memref_slice %arg8[%dma_start3A_873, %dma_start3A_874] : memref<10240x128xf32, #tpu.memory_space<vmem_shared>> -> memref<10240x128xf32, #tpu.memory_space<vmem_shared>>
        tpu.enqueue_indirect_dma source(%dma_start3A_869 : memref<80x128xf32, #tpu.memory_space<vmem>>) target(%dma_start3A_875 : memref<10240x128xf32, #tpu.memory_space<vmem_shared>>) offsets(%dma_start3A_872 : memref<80xi32, #tpu.memory_space<vmem>>) semaphore(%arg18 : memref<!tpu.dma_semaphore, #tpu.memory_space<semaphore_mem>>) {add = true}
        %get3A = arith.constant 0 : i32
        %get3A_876 = arith.index_cast %get3A : i32 to index
        %get3A_877 = arith.constant 0 : index
        %get3A_878 = tpu.vector_load %arg11[%get3A_876, %get3A_877] {strides = array<i32>} : memref<3x80xi32, #tpu.memory_space<vmem>>, vector<16xi32>,
        %broadcast_in_dim3A = arith.constant 1.000000e+00 : f32
        %broadcast_in_dim3A_879 = vector.broadcast %broadcast_in_dim3A : f32 to vector<16xf32>
        tpu.vector_store_idx %arg9[%get3A_878], %broadcast_in_dim3A_879 {add = true} : memref<10240xf32, #tpu.memory_space<vmem>>[vector<16xi32>], vector<16xf32>,
        %get3A_880 = arith.constant 0 : i32
        %get3A_881 = arith.index_cast %get3A_880 : i32 to index
        %get3A_882 = arith.constant 16 : index
        %get3A_883 = tpu.vector_load %arg11[%get3A_881, %get3A_882] {strides = array<i32>} : memref<3x80xi32, #tpu.memory_space<vmem>>, vector<16xi32>,
        %broadcast_in_dim3A_884 = arith.constant 1.000000e+00 : f32
        %broadcast_in_dim3A_885 = vector.broadcast %broadcast_in_dim3A_884 : f32 to vector<16xf32>
        tpu.vector_store_idx %arg9[%get3A_883], %broadcast_in_dim3A_885 {add = true} : memref<10240xf32, #tpu.memory_space<vmem>>[vector<16xi32>], vector<16xf32>,
        %get3A_886 = arith.constant 0 : i32
        %get3A_887 = arith.index_cast %get3A_886 : i32 to index
        %get3A_888 = arith.constant 32 : index
        %get3A_889 = tpu.vector_load %arg11[%get3A_887, %get3A_888] {strides = array<i32>} : memref<3x80xi32, #tpu.memory_space<vmem>>, vector<16xi32>,
        %broadcast_in_dim3A_890 = arith.constant 1.000000e+00 : f32
        %broadcast_in_dim3A_891 = vector.broadcast %broadcast_in_dim3A_890 : f32 to vector<16xf32>
        tpu.vector_store_idx %arg9[%get3A_889], %broadcast_in_dim3A_891 {add = true} : memref<10240xf32, #tpu.memory_space<vmem>>[vector<16xi32>], vector<16xf32>,
        %get3A_892 = arith.constant 0 : i32
        %get3A_893 = arith.index_cast %get3A_892 : i32 to index
        %get3A_894 = arith.constant 48 : index
        %get3A_895 = tpu.vector_load %arg11[%get3A_893, %get3A_894] {strides = array<i32>} : memref<3x80xi32, #tpu.memory_space<vmem>>, vector<16xi32>,
        %broadcast_in_dim3A_896 = arith.constant 1.000000e+00 : f32
        %broadcast_in_dim3A_897 = vector.broadcast %broadcast_in_dim3A_896 : f32 to vector<16xf32>
        tpu.vector_store_idx %arg9[%get3A_895], %broadcast_in_dim3A_897 {add = true} : memref<10240xf32, #tpu.memory_space<vmem>>[vector<16xi32>], vector<16xf32>,
        %get3A_898 = arith.constant 0 : i32
        %get3A_899 = arith.index_cast %get3A_898 : i32 to index
        %get3A_900 = arith.constant 64 : index
        %get3A_901 = tpu.vector_load %arg11[%get3A_899, %get3A_900] {strides = array<i32>} : memref<3x80xi32, #tpu.memory_space<vmem>>, vector<16xi32>,
        %broadcast_in_dim3A_902 = arith.constant 1.000000e+00 : f32
        %broadcast_in_dim3A_903 = vector.broadcast %broadcast_in_dim3A_902 : f32 to vector<16xf32>
        tpu.vector_store_idx %arg9[%get3A_901], %broadcast_in_dim3A_903 {add = true} : memref<10240xf32, #tpu.memory_space<vmem>>[vector<16xi32>], vector<16xf32>,
      } else {
      }
      %add3A_773 = arith.constant 1 : i32
      %add3A_774 = arith.addi %mul3A_744, %add3A_773 : i32
      %sub3A_775 = arith.constant 2 : i32
      %sub3A_776 = arith.subi %add3A_774, %sub3A_775 : i32
      %mul3A_777 = arith.constant 32 : i32
      %mul3A_778 = arith.muli %mul3A_777, %sub3A_776 : i32
      %add3A_779 = arith.addi %add3A, %mul3A_778 : i32
      %ge3A_780 = arith.constant 0 : i32
      %ge3A_781 = arith.cmpi sge, %sub3A_776, %ge3A_780 : i32
      %lt3A_782 = arith.constant 4000 : i32
      %lt3A_783 = arith.cmpi slt, %add3A_779, %lt3A_782 : i32
      %and3A_784 = arith.andi %ge3A_781, %lt3A_783 : i1
      %convert_element_type3A_785 = arith.extui %and3A_784 : i1 to i32
      %cond3A_786 = arith.constant 0 : i32
      %cond3A_787 = arith.cmpi ne, %convert_element_type3A_785, %cond3A_786 : i32
      scf.if %cond3A_787 {
        %dma_wait3A_840 = arith.constant 2 : i32
        %dma_wait3A_841 = arith.constant 2 : i32
        %dma_wait3A_842 = arith.constant 0 : i32
        %dma_wait3A_843 = arith.constant 0 : i32
        %dma_wait3A_844 = tpu.memref_slice %arg10[%dma_wait3A_840, %dma_wait3A_842, %dma_wait3A_843] : memref<3x80x128xf32, #tpu.memory_space<vmem>> -> memref<1x80x128xf32, #tpu.memory_space<vmem>>
        %dma_wait3A_845 = tpu.memref_squeeze %dma_wait3A_844 : memref<1x80x128xf32, #tpu.memory_space<vmem>> -> memref<80x128xf32, #tpu.memory_space<vmem>>
        %dma_wait3A_846 = arith.constant 0 : i32
        %dma_wait3A_847 = tpu.memref_slice %arg11[%dma_wait3A_841, %dma_wait3A_846] : memref<3x80xi32, #tpu.memory_space<vmem>> -> memref<1x80xi32, #tpu.memory_space<vmem>>
        %dma_wait3A_848 = tpu.memref_squeeze %dma_wait3A_847 : memref<1x80xi32, #tpu.memory_space<vmem>> -> memref<80xi32, #tpu.memory_space<vmem>>
        %dma_wait3A_849 = arith.constant 0 : i32
        %dma_wait3A_850 = arith.constant 0 : i32
        %dma_wait3A_851 = tpu.memref_slice %arg8[%dma_wait3A_849, %dma_wait3A_850] : memref<10240x128xf32, #tpu.memory_space<vmem_shared>> -> memref<10240x128xf32, #tpu.memory_space<vmem_shared>>
        tpu.wait_indirect_dma semaphore(%arg20 : memref<!tpu.dma_semaphore, #tpu.memory_space<semaphore_mem>>) src(%dma_wait3A_845 : memref<80x128xf32, #tpu.memory_space<vmem>>) dst(%dma_wait3A_851 : memref<10240x128xf32, #tpu.memory_space<vmem_shared>>)
      } else {
      }
      %add3A_788 = arith.constant 1 : i32
      %add3A_789 = arith.addi %add3A_774, %add3A_788 : i32
      %mul3A_790 = arith.constant 32 : i32
      %mul3A_791 = arith.muli %mul3A_790, %add3A_789 : i32
      %add3A_792 = arith.addi %add3A, %mul3A_791 : i32
      %lt3A_793 = arith.constant 4000 : i32
      %lt3A_794 = arith.cmpi slt, %add3A_792, %lt3A_793 : i32
      %convert_element_type3A_795 = arith.extui %lt3A_794 : i1 to i32
      %cond3A_796 = arith.constant 0 : i32
      %cond3A_797 = arith.cmpi ne, %convert_element_type3A_795, %cond3A_796 : i32
      scf.if %cond3A_797 {
        %mul3A_840 = arith.constant 80 : i32
        %mul3A_841 = arith.muli %add3A_792, %mul3A_840 : i32
        %dma_start3A_842 = arith.constant 2 : i32
        %dma_start3A_843 = arith.constant 0 : i32
        %dma_start3A_844 = tpu.memref_slice %arg11[%dma_start3A_842, %dma_start3A_843] : memref<3x80xi32, #tpu.memory_space<vmem>> -> memref<1x80xi32, #tpu.memory_space<vmem>>
        %dma_start3A_845 = tpu.memref_squeeze %dma_start3A_844 : memref<1x80xi32, #tpu.memory_space<vmem>> -> memref<80xi32, #tpu.memory_space<vmem>>
        %dma_start3A_846 = tpu.memref_slice %arg3[%mul3A_841] : memref<320000xi32, #tpu.memory_space<hbm>> -> memref<80xi32, #tpu.memory_space<hbm>>
        %dma_start3A_847 = arith.constant 0 : i32
        %dma_start3A_848 = tpu.memref_slice %arg11[%dma_start3A_842, %dma_start3A_847] : memref<3x80xi32, #tpu.memory_space<vmem>> -> memref<1x80xi32, #tpu.memory_space<vmem>>
        %dma_start3A_849 = tpu.memref_squeeze %dma_start3A_848 : memref<1x80xi32, #tpu.memory_space<vmem>> -> memref<80xi32, #tpu.memory_space<vmem>>
        %dma_start3A_850 = tpu.memref_slice %arg3[%mul3A_841] : memref<320000xi32, #tpu.memory_space<hbm>> -> memref<80xi32, #tpu.memory_space<hbm>>
        tpu.enqueue_dma source(%dma_start3A_850 : memref<80xi32, #tpu.memory_space<hbm>>) target(%dma_start3A_849 : memref<80xi32, #tpu.memory_space<vmem>>) target_semaphore(%arg14 : memref<!tpu.dma_semaphore, #tpu.memory_space<semaphore_mem>>)
        %dma_start3A_851 = arith.constant 2 : i32
        %dma_start3A_852 = arith.constant 0 : i32
        %dma_start3A_853 = arith.constant 0 : i32
        %dma_start3A_854 = tpu.memref_slice %arg10[%dma_start3A_851, %dma_start3A_852, %dma_start3A_853] : memref<3x80x128xf32, #tpu.memory_space<vmem>> -> memref<1x80x128xf32, #tpu.memory_space<vmem>>
        %dma_start3A_855 = tpu.memref_squeeze %dma_start3A_854 : memref<1x80x128xf32, #tpu.memory_space<vmem>> -> memref<80x128xf32, #tpu.memory_space<vmem>>
        %dma_start3A_856 = arith.constant 0 : i32
        %dma_start3A_857 = tpu.memref_slice %arg2[%mul3A_841, %dma_start3A_856] : memref<320000x128xf32, #tpu.memory_space<hbm>> -> memref<80x128xf32, #tpu.memory_space<hbm>>
        %dma_start3A_858 = arith.constant 0 : i32
        %dma_start3A_859 = arith.constant 0 : i32
        %dma_start3A_860 = tpu.memref_slice %arg10[%dma_start3A_851, %dma_start3A_858, %dma_start3A_859] : memref<3x80x128xf32, #tpu.memory_space<vmem>> -> memref<1x80x128xf32, #tpu.memory_space<vmem>>
        %dma_start3A_861 = tpu.memref_squeeze %dma_start3A_860 : memref<1x80x128xf32, #tpu.memory_space<vmem>> -> memref<80x128xf32, #tpu.memory_space<vmem>>
        %dma_start3A_862 = arith.constant 0 : i32
        %dma_start3A_863 = tpu.memref_slice %arg2[%mul3A_841, %dma_start3A_862] : memref<320000x128xf32, #tpu.memory_space<hbm>> -> memref<80x128xf32, #tpu.memory_space<hbm>>
        tpu.enqueue_dma source(%dma_start3A_863 : memref<80x128xf32, #tpu.memory_space<hbm>>) target(%dma_start3A_861 : memref<80x128xf32, #tpu.memory_space<vmem>>) target_semaphore(%arg17 : memref<!tpu.dma_semaphore, #tpu.memory_space<semaphore_mem>>)
      } else {
      }
      %mul3A_798 = arith.constant 32 : i32
      %mul3A_799 = arith.muli %mul3A_798, %add3A_774 : i32
      %add3A_800 = arith.addi %add3A, %mul3A_799 : i32
      %lt3A_801 = arith.constant 4000 : i32
      %lt3A_802 = arith.cmpi slt, %add3A_800, %lt3A_801 : i32
      %convert_element_type3A_803 = arith.extui %lt3A_802 : i1 to i32
      %cond3A_804 = arith.constant 0 : i32
      %cond3A_805 = arith.cmpi ne, %convert_element_type3A_803, %cond3A_804 : i32
      scf.if %cond3A_805 {
        %mul3A_840 = arith.constant 80 : i32
        %mul3A_841 = arith.muli %add3A_800, %mul3A_840 : i32
        %dma_wait3A_842 = arith.constant 1 : i32
        %dma_wait3A_843 = arith.constant 0 : i32
        %dma_wait3A_844 = tpu.memref_slice %arg11[%dma_wait3A_842, %dma_wait3A_843] : memref<3x80xi32, #tpu.memory_space<vmem>> -> memref<1x80xi32, #tpu.memory_space<vmem>>
        %dma_wait3A_845 = tpu.memref_squeeze %dma_wait3A_844 : memref<1x80xi32, #tpu.memory_space<vmem>> -> memref<80xi32, #tpu.memory_space<vmem>>
        %dma_wait3A_846 = tpu.memref_slice %arg3[%mul3A_841] : memref<320000xi32, #tpu.memory_space<hbm>> -> memref<80xi32, #tpu.memory_space<hbm>>
        %dma_wait3A_847 = arith.constant 0 : i32
        %dma_wait3A_848 = tpu.memref_slice %arg11[%dma_wait3A_842, %dma_wait3A_847] : memref<3x80xi32, #tpu.memory_space<vmem>> -> memref<1x80xi32, #tpu.memory_space<vmem>>
        %dma_wait3A_849 = tpu.memref_squeeze %dma_wait3A_848 : memref<1x80xi32, #tpu.memory_space<vmem>> -> memref<80xi32, #tpu.memory_space<vmem>>
        %dma_wait3A_850 = tpu.memref_slice %arg3[%mul3A_841] : memref<320000xi32, #tpu.memory_space<hbm>> -> memref<80xi32, #tpu.memory_space<hbm>>
        tpu.wait_dma2 semaphore(%arg13 : memref<!tpu.dma_semaphore, #tpu.memory_space<semaphore_mem>>) src(%dma_wait3A_850 : memref<80xi32, #tpu.memory_space<hbm>>) dst(%dma_wait3A_849 : memref<80xi32, #tpu.memory_space<vmem>>)
        %dma_wait3A_851 = arith.constant 1 : i32
        %dma_wait3A_852 = arith.constant 0 : i32
        %dma_wait3A_853 = arith.constant 0 : i32
        %dma_wait3A_854 = tpu.memref_slice %arg10[%dma_wait3A_851, %dma_wait3A_852, %dma_wait3A_853] : memref<3x80x128xf32, #tpu.memory_space<vmem>> -> memref<1x80x128xf32, #tpu.memory_space<vmem>>
        %dma_wait3A_855 = tpu.memref_squeeze %dma_wait3A_854 : memref<1x80x128xf32, #tpu.memory_space<vmem>> -> memref<80x128xf32, #tpu.memory_space<vmem>>
        %dma_wait3A_856 = arith.constant 0 : i32
        %dma_wait3A_857 = tpu.memref_slice %arg2[%mul3A_841, %dma_wait3A_856] : memref<320000x128xf32, #tpu.memory_space<hbm>> -> memref<80x128xf32, #tpu.memory_space<hbm>>
        %dma_wait3A_858 = arith.constant 0 : i32
        %dma_wait3A_859 = arith.constant 0 : i32
        %dma_wait3A_860 = tpu.memref_slice %arg10[%dma_wait3A_851, %dma_wait3A_858, %dma_wait3A_859] : memref<3x80x128xf32, #tpu.memory_space<vmem>> -> memref<1x80x128xf32, #tpu.memory_space<vmem>>
        %dma_wait3A_861 = tpu.memref_squeeze %dma_wait3A_860 : memref<1x80x128xf32, #tpu.memory_space<vmem>> -> memref<80x128xf32, #tpu.memory_space<vmem>>
        %dma_wait3A_862 = arith.constant 0 : i32
        %dma_wait3A_863 = tpu.memref_slice %arg2[%mul3A_841, %dma_wait3A_862] : memref<320000x128xf32, #tpu.memory_space<hbm>> -> memref<80x128xf32, #tpu.memory_space<hbm>>
        tpu.wait_dma2 semaphore(%arg16 : memref<!tpu.dma_semaphore, #tpu.memory_space<semaphore_mem>>) src(%dma_wait3A_863 : memref<80x128xf32, #tpu.memory_space<hbm>>) dst(%dma_wait3A_861 : memref<80x128xf32, #tpu.memory_space<vmem>>)
        %dma_start3A_864 = arith.constant 1 : i32
        %dma_start3A_865 = arith.constant 1 : i32
        %dma_start3A_866 = arith.constant 0 : i32
        %dma_start3A_867 = arith.constant 0 : i32
        %dma_start3A_868 = tpu.memref_slice %arg10[%dma_start3A_864, %dma_start3A_866, %dma_start3A_867] : memref<3x80x128xf32, #tpu.memory_space<vmem>> -> memref<1x80x128xf32, #tpu.memory_space<vmem>>
        %dma_start3A_869 = tpu.memref_squeeze %dma_start3A_868 : memref<1x80x128xf32, #tpu.memory_space<vmem>> -> memref<80x128xf32, #tpu.memory_space<vmem>>
        %dma_start3A_870 = arith.constant 0 : i32
        %dma_start3A_871 = tpu.memref_slice %arg11[%dma_start3A_865, %dma_start3A_870] : memref<3x80xi32, #tpu.memory_space<vmem>> -> memref<1x80xi32, #tpu.memory_space<vmem>>
        %dma_start3A_872 = tpu.memref_squeeze %dma_start3A_871 : memref<1x80xi32, #tpu.memory_space<vmem>> -> memref<80xi32, #tpu.memory_space<vmem>>
        %dma_start3A_873 = arith.constant 0 : i32
        %dma_start3A_874 = arith.constant 0 : i32
        %dma_start3A_875 = tpu.memref_slice %arg8[%dma_start3A_873, %dma_start3A_874] : memref<10240x128xf32, #tpu.memory_space<vmem_shared>> -> memref<10240x128xf32, #tpu.memory_space<vmem_shared>>
        tpu.enqueue_indirect_dma source(%dma_start3A_869 : memref<80x128xf32, #tpu.memory_space<vmem>>) target(%dma_start3A_875 : memref<10240x128xf32, #tpu.memory_space<vmem_shared>>) offsets(%dma_start3A_872 : memref<80xi32, #tpu.memory_space<vmem>>) semaphore(%arg19 : memref<!tpu.dma_semaphore, #tpu.memory_space<semaphore_mem>>) {add = true}
        %get3A = arith.constant 1 : i32
        %get3A_876 = arith.index_cast %get3A : i32 to index
        %get3A_877 = arith.constant 0 : index
        %get3A_878 = tpu.vector_load %arg11[%get3A_876, %get3A_877] {strides = array<i32>} : memref<3x80xi32, #tpu.memory_space<vmem>>, vector<16xi32>,
        %broadcast_in_dim3A = arith.constant 1.000000e+00 : f32
        %broadcast_in_dim3A_879 = vector.broadcast %broadcast_in_dim3A : f32 to vector<16xf32>
        tpu.vector_store_idx %arg9[%get3A_878], %broadcast_in_dim3A_879 {add = true} : memref<10240xf32, #tpu.memory_space<vmem>>[vector<16xi32>], vector<16xf32>,
        %get3A_880 = arith.constant 1 : i32
        %get3A_881 = arith.index_cast %get3A_880 : i32 to index
        %get3A_882 = arith.constant 16 : index
        %get3A_883 = tpu.vector_load %arg11[%get3A_881, %get3A_882] {strides = array<i32>} : memref<3x80xi32, #tpu.memory_space<vmem>>, vector<16xi32>,
        %broadcast_in_dim3A_884 = arith.constant 1.000000e+00 : f32
        %broadcast_in_dim3A_885 = vector.broadcast %broadcast_in_dim3A_884 : f32 to vector<16xf32>
        tpu.vector_store_idx %arg9[%get3A_883], %broadcast_in_dim3A_885 {add = true} : memref<10240xf32, #tpu.memory_space<vmem>>[vector<16xi32>], vector<16xf32>,
        %get3A_886 = arith.constant 1 : i32
        %get3A_887 = arith.index_cast %get3A_886 : i32 to index
        %get3A_888 = arith.constant 32 : index
        %get3A_889 = tpu.vector_load %arg11[%get3A_887, %get3A_888] {strides = array<i32>} : memref<3x80xi32, #tpu.memory_space<vmem>>, vector<16xi32>,
        %broadcast_in_dim3A_890 = arith.constant 1.000000e+00 : f32
        %broadcast_in_dim3A_891 = vector.broadcast %broadcast_in_dim3A_890 : f32 to vector<16xf32>
        tpu.vector_store_idx %arg9[%get3A_889], %broadcast_in_dim3A_891 {add = true} : memref<10240xf32, #tpu.memory_space<vmem>>[vector<16xi32>], vector<16xf32>,
        %get3A_892 = arith.constant 1 : i32
        %get3A_893 = arith.index_cast %get3A_892 : i32 to index
        %get3A_894 = arith.constant 48 : index
        %get3A_895 = tpu.vector_load %arg11[%get3A_893, %get3A_894] {strides = array<i32>} : memref<3x80xi32, #tpu.memory_space<vmem>>, vector<16xi32>,
        %broadcast_in_dim3A_896 = arith.constant 1.000000e+00 : f32
        %broadcast_in_dim3A_897 = vector.broadcast %broadcast_in_dim3A_896 : f32 to vector<16xf32>
        tpu.vector_store_idx %arg9[%get3A_895], %broadcast_in_dim3A_897 {add = true} : memref<10240xf32, #tpu.memory_space<vmem>>[vector<16xi32>], vector<16xf32>,
        %get3A_898 = arith.constant 1 : i32
        %get3A_899 = arith.index_cast %get3A_898 : i32 to index
        %get3A_900 = arith.constant 64 : index
        %get3A_901 = tpu.vector_load %arg11[%get3A_899, %get3A_900] {strides = array<i32>} : memref<3x80xi32, #tpu.memory_space<vmem>>, vector<16xi32>,
        %broadcast_in_dim3A_902 = arith.constant 1.000000e+00 : f32
        %broadcast_in_dim3A_903 = vector.broadcast %broadcast_in_dim3A_902 : f32 to vector<16xf32>
        tpu.vector_store_idx %arg9[%get3A_901], %broadcast_in_dim3A_903 {add = true} : memref<10240xf32, #tpu.memory_space<vmem>>[vector<16xi32>], vector<16xf32>,
      } else {
      }
      %add3A_806 = arith.constant 2 : i32
      %add3A_807 = arith.addi %mul3A_744, %add3A_806 : i32
      %sub3A_808 = arith.constant 2 : i32
      %sub3A_809 = arith.subi %add3A_807, %sub3A_808 : i32
      %mul3A_810 = arith.constant 32 : i32
      %mul3A_811 = arith.muli %mul3A_810, %sub3A_809 : i32
      %add3A_812 = arith.addi %add3A, %mul3A_811 : i32
      %ge3A_813 = arith.constant 0 : i32
      %ge3A_814 = arith.cmpi sge, %sub3A_809, %ge3A_813 : i32
      %lt3A_815 = arith.constant 4000 : i32
      %lt3A_816 = arith.cmpi slt, %add3A_812, %lt3A_815 : i32
      %and3A_817 = arith.andi %ge3A_814, %lt3A_816 : i1
      %convert_element_type3A_818 = arith.extui %and3A_817 : i1 to i32
      %cond3A_819 = arith.constant 0 : i32
      %cond3A_820 = arith.cmpi ne, %convert_element_type3A_818, %cond3A_819 : i32
      scf.if %cond3A_820 {
        %dma_wait3A_840 = arith.constant 0 : i32
        %dma_wait3A_841 = arith.constant 0 : i32
        %dma_wait3A_842 = arith.constant 0 : i32
        %dma_wait3A_843 = arith.constant 0 : i32
        %dma_wait3A_844 = tpu.memref_slice %arg10[%dma_wait3A_840, %dma_wait3A_842, %dma_wait3A_843] : memref<3x80x128xf32, #tpu.memory_space<vmem>> -> memref<1x80x128xf32, #tpu.memory_space<vmem>>
        %dma_wait3A_845 = tpu.memref_squeeze %dma_wait3A_844 : memref<1x80x128xf32, #tpu.memory_space<vmem>> -> memref<80x128xf32, #tpu.memory_space<vmem>>
        %dma_wait3A_846 = arith.constant 0 : i32
        %dma_wait3A_847 = tpu.memref_slice %arg11[%dma_wait3A_841, %dma_wait3A_846] : memref<3x80xi32, #tpu.memory_space<vmem>> -> memref<1x80xi32, #tpu.memory_space<vmem>>
        %dma_wait3A_848 = tpu.memref_squeeze %dma_wait3A_847 : memref<1x80xi32, #tpu.memory_space<vmem>> -> memref<80xi32, #tpu.memory_space<vmem>>
        %dma_wait3A_849 = arith.constant 0 : i32
        %dma_wait3A_850 = arith.constant 0 : i32
        %dma_wait3A_851 = tpu.memref_slice %arg8[%dma_wait3A_849, %dma_wait3A_850] : memref<10240x128xf32, #tpu.memory_space<vmem_shared>> -> memref<10240x128xf32, #tpu.memory_space<vmem_shared>>
        tpu.wait_indirect_dma semaphore(%arg18 : memref<!tpu.dma_semaphore, #tpu.memory_space<semaphore_mem>>) src(%dma_wait3A_845 : memref<80x128xf32, #tpu.memory_space<vmem>>) dst(%dma_wait3A_851 : memref<10240x128xf32, #tpu.memory_space<vmem_shared>>)
      } else {
      }
      %add3A_821 = arith.constant 1 : i32
      %add3A_822 = arith.addi %add3A_807, %add3A_821 : i32
      %mul3A_823 = arith.constant 32 : i32
      %mul3A_824 = arith.muli %mul3A_823, %add3A_822 : i32
      %add3A_825 = arith.addi %add3A, %mul3A_824 : i32
      %lt3A_826 = arith.constant 4000 : i32
      %lt3A_827 = arith.cmpi slt, %add3A_825, %lt3A_826 : i32
      %convert_element_type3A_828 = arith.extui %lt3A_827 : i1 to i32
      %cond3A_829 = arith.constant 0 : i32
      %cond3A_830 = arith.cmpi ne, %convert_element_type3A_828, %cond3A_829 : i32
      scf.if %cond3A_830 {
        %mul3A_840 = arith.constant 80 : i32
        %mul3A_841 = arith.muli %add3A_825, %mul3A_840 : i32
        %dma_start3A_842 = arith.constant 0 : i32
        %dma_start3A_843 = arith.constant 0 : i32
        %dma_start3A_844 = tpu.memref_slice %arg11[%dma_start3A_842, %dma_start3A_843] : memref<3x80xi32, #tpu.memory_space<vmem>> -> memref<1x80xi32, #tpu.memory_space<vmem>>
        %dma_start3A_845 = tpu.memref_squeeze %dma_start3A_844 : memref<1x80xi32, #tpu.memory_space<vmem>> -> memref<80xi32, #tpu.memory_space<vmem>>
        %dma_start3A_846 = tpu.memref_slice %arg3[%mul3A_841] : memref<320000xi32, #tpu.memory_space<hbm>> -> memref<80xi32, #tpu.memory_space<hbm>>
        %dma_start3A_847 = arith.constant 0 : i32
        %dma_start3A_848 = tpu.memref_slice %arg11[%dma_start3A_842, %dma_start3A_847] : memref<3x80xi32, #tpu.memory_space<vmem>> -> memref<1x80xi32, #tpu.memory_space<vmem>>
        %dma_start3A_849 = tpu.memref_squeeze %dma_start3A_848 : memref<1x80xi32, #tpu.memory_space<vmem>> -> memref<80xi32, #tpu.memory_space<vmem>>
        %dma_start3A_850 = tpu.memref_slice %arg3[%mul3A_841] : memref<320000xi32, #tpu.memory_space<hbm>> -> memref<80xi32, #tpu.memory_space<hbm>>
        tpu.enqueue_dma source(%dma_start3A_850 : memref<80xi32, #tpu.memory_space<hbm>>) target(%dma_start3A_849 : memref<80xi32, #tpu.memory_space<vmem>>) target_semaphore(%arg12 : memref<!tpu.dma_semaphore, #tpu.memory_space<semaphore_mem>>)
        %dma_start3A_851 = arith.constant 0 : i32
        %dma_start3A_852 = arith.constant 0 : i32
        %dma_start3A_853 = arith.constant 0 : i32
        %dma_start3A_854 = tpu.memref_slice %arg10[%dma_start3A_851, %dma_start3A_852, %dma_start3A_853] : memref<3x80x128xf32, #tpu.memory_space<vmem>> -> memref<1x80x128xf32, #tpu.memory_space<vmem>>
        %dma_start3A_855 = tpu.memref_squeeze %dma_start3A_854 : memref<1x80x128xf32, #tpu.memory_space<vmem>> -> memref<80x128xf32, #tpu.memory_space<vmem>>
        %dma_start3A_856 = arith.constant 0 : i32
        %dma_start3A_857 = tpu.memref_slice %arg2[%mul3A_841, %dma_start3A_856] : memref<320000x128xf32, #tpu.memory_space<hbm>> -> memref<80x128xf32, #tpu.memory_space<hbm>>
        %dma_start3A_858 = arith.constant 0 : i32
        %dma_start3A_859 = arith.constant 0 : i32
        %dma_start3A_860 = tpu.memref_slice %arg10[%dma_start3A_851, %dma_start3A_858, %dma_start3A_859] : memref<3x80x128xf32, #tpu.memory_space<vmem>> -> memref<1x80x128xf32, #tpu.memory_space<vmem>>
        %dma_start3A_861 = tpu.memref_squeeze %dma_start3A_860 : memref<1x80x128xf32, #tpu.memory_space<vmem>> -> memref<80x128xf32, #tpu.memory_space<vmem>>
        %dma_start3A_862 = arith.constant 0 : i32
        %dma_start3A_863 = tpu.memref_slice %arg2[%mul3A_841, %dma_start3A_862] : memref<320000x128xf32, #tpu.memory_space<hbm>> -> memref<80x128xf32, #tpu.memory_space<hbm>>
        tpu.enqueue_dma source(%dma_start3A_863 : memref<80x128xf32, #tpu.memory_space<hbm>>) target(%dma_start3A_861 : memref<80x128xf32, #tpu.memory_space<vmem>>) target_semaphore(%arg15 : memref<!tpu.dma_semaphore, #tpu.memory_space<semaphore_mem>>)
      } else {
      }
      %mul3A_831 = arith.constant 32 : i32
      %mul3A_832 = arith.muli %mul3A_831, %add3A_807 : i32
      %add3A_833 = arith.addi %add3A, %mul3A_832 : i32
      %lt3A_834 = arith.constant 4000 : i32
      %lt3A_835 = arith.cmpi slt, %add3A_833, %lt3A_834 : i32
      %convert_element_type3A_836 = arith.extui %lt3A_835 : i1 to i32
      %cond3A_837 = arith.constant 0 : i32
      %cond3A_838 = arith.cmpi ne, %convert_element_type3A_836, %cond3A_837 : i32
      scf.if %cond3A_838 {
        %mul3A_840 = arith.constant 80 : i32
        %mul3A_841 = arith.muli %add3A_833, %mul3A_840 : i32
        %dma_wait3A_842 = arith.constant 2 : i32
        %dma_wait3A_843 = arith.constant 0 : i32
        %dma_wait3A_844 = tpu.memref_slice %arg11[%dma_wait3A_842, %dma_wait3A_843] : memref<3x80xi32, #tpu.memory_space<vmem>> -> memref<1x80xi32, #tpu.memory_space<vmem>>
        %dma_wait3A_845 = tpu.memref_squeeze %dma_wait3A_844 : memref<1x80xi32, #tpu.memory_space<vmem>> -> memref<80xi32, #tpu.memory_space<vmem>>
        %dma_wait3A_846 = tpu.memref_slice %arg3[%mul3A_841] : memref<320000xi32, #tpu.memory_space<hbm>> -> memref<80xi32, #tpu.memory_space<hbm>>
        %dma_wait3A_847 = arith.constant 0 : i32
        %dma_wait3A_848 = tpu.memref_slice %arg11[%dma_wait3A_842, %dma_wait3A_847] : memref<3x80xi32, #tpu.memory_space<vmem>> -> memref<1x80xi32, #tpu.memory_space<vmem>>
        %dma_wait3A_849 = tpu.memref_squeeze %dma_wait3A_848 : memref<1x80xi32, #tpu.memory_space<vmem>> -> memref<80xi32, #tpu.memory_space<vmem>>
        %dma_wait3A_850 = tpu.memref_slice %arg3[%mul3A_841] : memref<320000xi32, #tpu.memory_space<hbm>> -> memref<80xi32, #tpu.memory_space<hbm>>
        tpu.wait_dma2 semaphore(%arg14 : memref<!tpu.dma_semaphore, #tpu.memory_space<semaphore_mem>>) src(%dma_wait3A_850 : memref<80xi32, #tpu.memory_space<hbm>>) dst(%dma_wait3A_849 : memref<80xi32, #tpu.memory_space<vmem>>)
        %dma_wait3A_851 = arith.constant 2 : i32
        %dma_wait3A_852 = arith.constant 0 : i32
        %dma_wait3A_853 = arith.constant 0 : i32
        %dma_wait3A_854 = tpu.memref_slice %arg10[%dma_wait3A_851, %dma_wait3A_852, %dma_wait3A_853] : memref<3x80x128xf32, #tpu.memory_space<vmem>> -> memref<1x80x128xf32, #tpu.memory_space<vmem>>
        %dma_wait3A_855 = tpu.memref_squeeze %dma_wait3A_854 : memref<1x80x128xf32, #tpu.memory_space<vmem>> -> memref<80x128xf32, #tpu.memory_space<vmem>>
        %dma_wait3A_856 = arith.constant 0 : i32
        %dma_wait3A_857 = tpu.memref_slice %arg2[%mul3A_841, %dma_wait3A_856] : memref<320000x128xf32, #tpu.memory_space<hbm>> -> memref<80x128xf32, #tpu.memory_space<hbm>>
        %dma_wait3A_858 = arith.constant 0 : i32
        %dma_wait3A_859 = arith.constant 0 : i32
        %dma_wait3A_860 = tpu.memref_slice %arg10[%dma_wait3A_851, %dma_wait3A_858, %dma_wait3A_859] : memref<3x80x128xf32, #tpu.memory_space<vmem>> -> memref<1x80x128xf32, #tpu.memory_space<vmem>>
        %dma_wait3A_861 = tpu.memref_squeeze %dma_wait3A_860 : memref<1x80x128xf32, #tpu.memory_space<vmem>> -> memref<80x128xf32, #tpu.memory_space<vmem>>
        %dma_wait3A_862 = arith.constant 0 : i32
        %dma_wait3A_863 = tpu.memref_slice %arg2[%mul3A_841, %dma_wait3A_862] : memref<320000x128xf32, #tpu.memory_space<hbm>> -> memref<80x128xf32, #tpu.memory_space<hbm>>
        tpu.wait_dma2 semaphore(%arg17 : memref<!tpu.dma_semaphore, #tpu.memory_space<semaphore_mem>>) src(%dma_wait3A_863 : memref<80x128xf32, #tpu.memory_space<hbm>>) dst(%dma_wait3A_861 : memref<80x128xf32, #tpu.memory_space<vmem>>)
        %dma_start3A_864 = arith.constant 2 : i32
        %dma_start3A_865 = arith.constant 2 : i32
        %dma_start3A_866 = arith.constant 0 : i32
        %dma_start3A_867 = arith.constant 0 : i32
        %dma_start3A_868 = tpu.memref_slice %arg10[%dma_start3A_864, %dma_start3A_866, %dma_start3A_867] : memref<3x80x128xf32, #tpu.memory_space<vmem>> -> memref<1x80x128xf32, #tpu.memory_space<vmem>>
        %dma_start3A_869 = tpu.memref_squeeze %dma_start3A_868 : memref<1x80x128xf32, #tpu.memory_space<vmem>> -> memref<80x128xf32, #tpu.memory_space<vmem>>
        %dma_start3A_870 = arith.constant 0 : i32
        %dma_start3A_871 = tpu.memref_slice %arg11[%dma_start3A_865, %dma_start3A_870] : memref<3x80xi32, #tpu.memory_space<vmem>> -> memref<1x80xi32, #tpu.memory_space<vmem>>
        %dma_start3A_872 = tpu.memref_squeeze %dma_start3A_871 : memref<1x80xi32, #tpu.memory_space<vmem>> -> memref<80xi32, #tpu.memory_space<vmem>>
        %dma_start3A_873 = arith.constant 0 : i32
        %dma_start3A_874 = arith.constant 0 : i32
        %dma_start3A_875 = tpu.memref_slice %arg8[%dma_start3A_873, %dma_start3A_874] : memref<10240x128xf32, #tpu.memory_space<vmem_shared>> -> memref<10240x128xf32, #tpu.memory_space<vmem_shared>>
        tpu.enqueue_indirect_dma source(%dma_start3A_869 : memref<80x128xf32, #tpu.memory_space<vmem>>) target(%dma_start3A_875 : memref<10240x128xf32, #tpu.memory_space<vmem_shared>>) offsets(%dma_start3A_872 : memref<80xi32, #tpu.memory_space<vmem>>) semaphore(%arg20 : memref<!tpu.dma_semaphore, #tpu.memory_space<semaphore_mem>>) {add = true}
        %get3A = arith.constant 2 : i32
        %get3A_876 = arith.index_cast %get3A : i32 to index
        %get3A_877 = arith.constant 0 : index
        %get3A_878 = tpu.vector_load %arg11[%get3A_876, %get3A_877] {strides = array<i32>} : memref<3x80xi32, #tpu.memory_space<vmem>>, vector<16xi32>,
        %broadcast_in_dim3A = arith.constant 1.000000e+00 : f32
        %broadcast_in_dim3A_879 = vector.broadcast %broadcast_in_dim3A : f32 to vector<16xf32>
        tpu.vector_store_idx %arg9[%get3A_878], %broadcast_in_dim3A_879 {add = true} : memref<10240xf32, #tpu.memory_space<vmem>>[vector<16xi32>], vector<16xf32>,
        %get3A_880 = arith.constant 2 : i32
        %get3A_881 = arith.index_cast %get3A_880 : i32 to index
        %get3A_882 = arith.constant 16 : index
        %get3A_883 = tpu.vector_load %arg11[%get3A_881, %get3A_882] {strides = array<i32>} : memref<3x80xi32, #tpu.memory_space<vmem>>, vector<16xi32>,
        %broadcast_in_dim3A_884 = arith.constant 1.000000e+00 : f32
        %broadcast_in_dim3A_885 = vector.broadcast %broadcast_in_dim3A_884 : f32 to vector<16xf32>
        tpu.vector_store_idx %arg9[%get3A_883], %broadcast_in_dim3A_885 {add = true} : memref<10240xf32, #tpu.memory_space<vmem>>[vector<16xi32>], vector<16xf32>,
        %get3A_886 = arith.constant 2 : i32
        %get3A_887 = arith.index_cast %get3A_886 : i32 to index
        %get3A_888 = arith.constant 32 : index
        %get3A_889 = tpu.vector_load %arg11[%get3A_887, %get3A_888] {strides = array<i32>} : memref<3x80xi32, #tpu.memory_space<vmem>>, vector<16xi32>,
        %broadcast_in_dim3A_890 = arith.constant 1.000000e+00 : f32
        %broadcast_in_dim3A_891 = vector.broadcast %broadcast_in_dim3A_890 : f32 to vector<16xf32>
        tpu.vector_store_idx %arg9[%get3A_889], %broadcast_in_dim3A_891 {add = true} : memref<10240xf32, #tpu.memory_space<vmem>>[vector<16xi32>], vector<16xf32>,
        %get3A_892 = arith.constant 2 : i32
        %get3A_893 = arith.index_cast %get3A_892 : i32 to index
        %get3A_894 = arith.constant 48 : index
        %get3A_895 = tpu.vector_load %arg11[%get3A_893, %get3A_894] {strides = array<i32>} : memref<3x80xi32, #tpu.memory_space<vmem>>, vector<16xi32>,
        %broadcast_in_dim3A_896 = arith.constant 1.000000e+00 : f32
        %broadcast_in_dim3A_897 = vector.broadcast %broadcast_in_dim3A_896 : f32 to vector<16xf32>
        tpu.vector_store_idx %arg9[%get3A_895], %broadcast_in_dim3A_897 {add = true} : memref<10240xf32, #tpu.memory_space<vmem>>[vector<16xi32>], vector<16xf32>,
        %get3A_898 = arith.constant 2 : i32
        %get3A_899 = arith.index_cast %get3A_898 : i32 to index
        %get3A_900 = arith.constant 64 : index
        %get3A_901 = tpu.vector_load %arg11[%get3A_899, %get3A_900] {strides = array<i32>} : memref<3x80xi32, #tpu.memory_space<vmem>>, vector<16xi32>,
        %broadcast_in_dim3A_902 = arith.constant 1.000000e+00 : f32
        %broadcast_in_dim3A_903 = vector.broadcast %broadcast_in_dim3A_902 : f32 to vector<16xf32>
        tpu.vector_store_idx %arg9[%get3A_901], %broadcast_in_dim3A_903 {add = true} : memref<10240xf32, #tpu.memory_space<vmem>>[vector<16xi32>], vector<16xf32>,
      } else {
      }
      %scan3A_839 = arith.constant 0 : i32
      scf.yield %scan3A_839 : i32
    }
    %scan3A_250 = arith.constant 43 : i32
    %barrier3A_251 = arith.constant 0 : index
    tpu.barrier barrier_id(%barrier3A_251)
    %mul3A_252 = arith.constant 10240 : i32
    %mul3A_253 = arith.muli %arg0, %mul3A_252 : i32
    %add3A_254 = arith.addi %mul3A_253, %mul3A_2 : i32
    %mul3A_255 = arith.constant 10240 : i32
    %mul3A_256 = arith.muli %add3A, %mul3A_255 : i32
    %dma_start3A_257 = tpu.memref_slice %arg7[%mul3A_256] : memref<327680xf32, #tpu.memory_space<hbm>> -> memref<10240xf32, #tpu.memory_space<hbm>>
    %dma_start3A_258 = tpu.memref_slice %arg7[%mul3A_256] : memref<327680xf32, #tpu.memory_space<hbm>> -> memref<10240xf32, #tpu.memory_space<hbm>>
    tpu.enqueue_dma source(%arg9 : memref<10240xf32, #tpu.memory_space<vmem>>) target(%dma_start3A_258 : memref<10240xf32, #tpu.memory_space<hbm>>) target_semaphore(%arg20 : memref<!tpu.dma_semaphore, #tpu.memory_space<semaphore_mem>>)
    %dma_start3A_259 = arith.constant 0 : i32
    %dma_start3A_260 = arith.constant 0 : i32
    %dma_start3A_261 = arith.constant 0 : i32
    %dma_start3A_262 = tpu.memref_slice %arg10[%dma_start3A_259, %dma_start3A_260, %dma_start3A_261] : memref<3x80x128xf32, #tpu.memory_space<vmem>> -> memref<1x80x128xf32, #tpu.memory_space<vmem>>
    %dma_start3A_263 = tpu.memref_squeeze %dma_start3A_262 : memref<1x80x128xf32, #tpu.memory_space<vmem>> -> memref<80x128xf32, #tpu.memory_space<vmem>>
    %dma_start3A_264 = arith.constant 0 : i32
    %dma_start3A_265 = tpu.memref_slice %arg8[%mul3A_2, %dma_start3A_264] : memref<10240x128xf32, #tpu.memory_space<vmem_shared>> -> memref<80x128xf32, #tpu.memory_space<vmem_shared>>
    %dma_start3A_266 = arith.constant 0 : i32
    %dma_start3A_267 = arith.constant 0 : i32
    %dma_start3A_268 = tpu.memref_slice %arg10[%dma_start3A_259, %dma_start3A_266, %dma_start3A_267] : memref<3x80x128xf32, #tpu.memory_space<vmem>> -> memref<1x80x128xf32, #tpu.memory_space<vmem>>
    %dma_start3A_269 = tpu.memref_squeeze %dma_start3A_268 : memref<1x80x128xf32, #tpu.memory_space<vmem>> -> memref<80x128xf32, #tpu.memory_space<vmem>>
    %dma_start3A_270 = arith.constant 0 : i32
    %dma_start3A_271 = tpu.memref_slice %arg8[%mul3A_2, %dma_start3A_270] : memref<10240x128xf32, #tpu.memory_space<vmem_shared>> -> memref<80x128xf32, #tpu.memory_space<vmem_shared>>
    tpu.enqueue_dma source(%dma_start3A_271 : memref<80x128xf32, #tpu.memory_space<vmem_shared>>) target(%dma_start3A_269 : memref<80x128xf32, #tpu.memory_space<vmem>>) target_semaphore(%arg12 : memref<!tpu.dma_semaphore, #tpu.memory_space<semaphore_mem>>)
    %add3A_272 = arith.constant 0 : i32
    %add3A_273 = arith.addi %mul3A_2, %add3A_272 : i32
    %dma_wait3A_274 = arith.constant 0 : i32
    %dma_wait3A_275 = arith.constant 0 : i32
    %dma_wait3A_276 = arith.constant 0 : i32
    %dma_wait3A_277 = tpu.memref_slice %arg10[%dma_wait3A_274, %dma_wait3A_275, %dma_wait3A_276] : memref<3x80x128xf32, #tpu.memory_space<vmem>> -> memref<1x80x128xf32, #tpu.memory_space<vmem>>
    %dma_wait3A_278 = tpu.memref_squeeze %dma_wait3A_277 : memref<1x80x128xf32, #tpu.memory_space<vmem>> -> memref<80x128xf32, #tpu.memory_space<vmem>>
    %dma_wait3A_279 = arith.constant 0 : i32
    %dma_wait3A_280 = tpu.memref_slice %arg8[%add3A_273, %dma_wait3A_279] : memref<10240x128xf32, #tpu.memory_space<vmem_shared>> -> memref<80x128xf32, #tpu.memory_space<vmem_shared>>
    %dma_wait3A_281 = arith.constant 0 : i32
    %dma_wait3A_282 = arith.constant 0 : i32
    %dma_wait3A_283 = tpu.memref_slice %arg10[%dma_wait3A_274, %dma_wait3A_281, %dma_wait3A_282] : memref<3x80x128xf32, #tpu.memory_space<vmem>> -> memref<1x80x128xf32, #tpu.memory_space<vmem>>
    %dma_wait3A_284 = tpu.memref_squeeze %dma_wait3A_283 : memref<1x80x128xf32, #tpu.memory_space<vmem>> -> memref<80x128xf32, #tpu.memory_space<vmem>>
    %dma_wait3A_285 = arith.constant 0 : i32
    %dma_wait3A_286 = tpu.memref_slice %arg8[%add3A_273, %dma_wait3A_285] : memref<10240x128xf32, #tpu.memory_space<vmem_shared>> -> memref<80x128xf32, #tpu.memory_space<vmem_shared>>
    tpu.wait_dma2 semaphore(%arg12 : memref<!tpu.dma_semaphore, #tpu.memory_space<semaphore_mem>>) src(%dma_wait3A_286 : memref<80x128xf32, #tpu.memory_space<vmem_shared>>) dst(%dma_wait3A_284 : memref<80x128xf32, #tpu.memory_space<vmem>>)
    %add3A_287 = arith.constant 0 : i32
    %add3A_288 = arith.addi %add3A_254, %add3A_287 : i32
    %dma_start3A_289 = arith.constant 0 : i32
    %dma_start3A_290 = arith.constant 0 : i32
    %dma_start3A_291 = arith.constant 0 : i32
    %dma_start3A_292 = tpu.memref_slice %arg10[%dma_start3A_289, %dma_start3A_290, %dma_start3A_291] : memref<3x80x128xf32, #tpu.memory_space<vmem>> -> memref<1x80x128xf32, #tpu.memory_space<vmem>>
    %dma_start3A_293 = tpu.memref_squeeze %dma_start3A_292 : memref<1x80x128xf32, #tpu.memory_space<vmem>> -> memref<80x128xf32, #tpu.memory_space<vmem>>
    %dma_start3A_294 = arith.constant 0 : i32
    %dma_start3A_295 = tpu.memref_slice %arg6[%add3A_288, %dma_start3A_294] : memref<20480x128xf32, #tpu.memory_space<hbm>> -> memref<80x128xf32, #tpu.memory_space<hbm>>
    %dma_start3A_296 = arith.constant 0 : i32
    %dma_start3A_297 = tpu.memref_slice %arg6[%add3A_288, %dma_start3A_296] : memref<20480x128xf32, #tpu.memory_space<hbm>> -> memref<80x128xf32, #tpu.memory_space<hbm>>
    %dma_start3A_298 = arith.constant 0 : i32
    %dma_start3A_299 = arith.constant 0 : i32
    %dma_start3A_300 = tpu.memref_slice %arg10[%dma_start3A_289, %dma_start3A_298, %dma_start3A_299] : memref<3x80x128xf32, #tpu.memory_space<vmem>> -> memref<1x80x128xf32, #tpu.memory_space<vmem>>
    %dma_start3A_301 = tpu.memref_squeeze %dma_start3A_300 : memref<1x80x128xf32, #tpu.memory_space<vmem>> -> memref<80x128xf32, #tpu.memory_space<vmem>>
    tpu.enqueue_dma source(%dma_start3A_301 : memref<80x128xf32, #tpu.memory_space<vmem>>) target(%dma_start3A_297 : memref<80x128xf32, #tpu.memory_space<hbm>>) target_semaphore(%arg15 : memref<!tpu.dma_semaphore, #tpu.memory_space<semaphore_mem>>)
    %add3A_302 = arith.constant 80 : i32
    %add3A_303 = arith.addi %mul3A_2, %add3A_302 : i32
    %dma_start3A_304 = arith.constant 1 : i32
    %dma_start3A_305 = arith.constant 0 : i32
    %dma_start3A_306 = arith.constant 0 : i32
    %dma_start3A_307 = tpu.memref_slice %arg10[%dma_start3A_304, %dma_start3A_305, %dma_start3A_306] : memref<3x80x128xf32, #tpu.memory_space<vmem>> -> memref<1x80x128xf32, #tpu.memory_space<vmem>>
    %dma_start3A_308 = tpu.memref_squeeze %dma_start3A_307 : memref<1x80x128xf32, #tpu.memory_space<vmem>> -> memref<80x128xf32, #tpu.memory_space<vmem>>
    %dma_start3A_309 = arith.constant 0 : i32
    %dma_start3A_310 = tpu.memref_slice %arg8[%add3A_303, %dma_start3A_309] : memref<10240x128xf32, #tpu.memory_space<vmem_shared>> -> memref<80x128xf32, #tpu.memory_space<vmem_shared>>
    %dma_start3A_311 = arith.constant 0 : i32
    %dma_start3A_312 = arith.constant 0 : i32
    %dma_start3A_313 = tpu.memref_slice %arg10[%dma_start3A_304, %dma_start3A_311, %dma_start3A_312] : memref<3x80x128xf32, #tpu.memory_space<vmem>> -> memref<1x80x128xf32, #tpu.memory_space<vmem>>
    %dma_start3A_314 = tpu.memref_squeeze %dma_start3A_313 : memref<1x80x128xf32, #tpu.memory_space<vmem>> -> memref<80x128xf32, #tpu.memory_space<vmem>>
    %dma_start3A_315 = arith.constant 0 : i32
    %dma_start3A_316 = tpu.memref_slice %arg8[%add3A_303, %dma_start3A_315] : memref<10240x128xf32, #tpu.memory_space<vmem_shared>> -> memref<80x128xf32, #tpu.memory_space<vmem_shared>>
    tpu.enqueue_dma source(%dma_start3A_316 : memref<80x128xf32, #tpu.memory_space<vmem_shared>>) target(%dma_start3A_314 : memref<80x128xf32, #tpu.memory_space<vmem>>) target_semaphore(%arg13 : memref<!tpu.dma_semaphore, #tpu.memory_space<semaphore_mem>>)
    %add3A_317 = arith.constant 80 : i32
    %add3A_318 = arith.addi %mul3A_2, %add3A_317 : i32
    %dma_wait3A_319 = arith.constant 1 : i32
    %dma_wait3A_320 = arith.constant 0 : i32
    %dma_wait3A_321 = arith.constant 0 : i32
    %dma_wait3A_322 = tpu.memref_slice %arg10[%dma_wait3A_319, %dma_wait3A_320, %dma_wait3A_321] : memref<3x80x128xf32, #tpu.memory_space<vmem>> -> memref<1x80x128xf32, #tpu.memory_space<vmem>>
    %dma_wait3A_323 = tpu.memref_squeeze %dma_wait3A_322 : memref<1x80x128xf32, #tpu.memory_space<vmem>> -> memref<80x128xf32, #tpu.memory_space<vmem>>
    %dma_wait3A_324 = arith.constant 0 : i32
    %dma_wait3A_325 = tpu.memref_slice %arg8[%add3A_318, %dma_wait3A_324] : memref<10240x128xf32, #tpu.memory_space<vmem_shared>> -> memref<80x128xf32, #tpu.memory_space<vmem_shared>>
    %dma_wait3A_326 = arith.constant 0 : i32
    %dma_wait3A_327 = arith.constant 0 : i32
    %dma_wait3A_328 = tpu.memref_slice %arg10[%dma_wait3A_319, %dma_wait3A_326, %dma_wait3A_327] : memref<3x80x128xf32, #tpu.memory_space<vmem>> -> memref<1x80x128xf32, #tpu.memory_space<vmem>>
    %dma_wait3A_329 = tpu.memref_squeeze %dma_wait3A_328 : memref<1x80x128xf32, #tpu.memory_space<vmem>> -> memref<80x128xf32, #tpu.memory_space<vmem>>
    %dma_wait3A_330 = arith.constant 0 : i32
    %dma_wait3A_331 = tpu.memref_slice %arg8[%add3A_318, %dma_wait3A_330] : memref<10240x128xf32, #tpu.memory_space<vmem_shared>> -> memref<80x128xf32, #tpu.memory_space<vmem_shared>>
    tpu.wait_dma2 semaphore(%arg13 : memref<!tpu.dma_semaphore, #tpu.memory_space<semaphore_mem>>) src(%dma_wait3A_331 : memref<80x128xf32, #tpu.memory_space<vmem_shared>>) dst(%dma_wait3A_329 : memref<80x128xf32, #tpu.memory_space<vmem>>)
    %add3A_332 = arith.constant 80 : i32
    %add3A_333 = arith.addi %add3A_254, %add3A_332 : i32
    %dma_start3A_334 = arith.constant 1 : i32
    %dma_start3A_335 = arith.constant 0 : i32
    %dma_start3A_336 = arith.constant 0 : i32
    %dma_start3A_337 = tpu.memref_slice %arg10[%dma_start3A_334, %dma_start3A_335, %dma_start3A_336] : memref<3x80x128xf32, #tpu.memory_space<vmem>> -> memref<1x80x128xf32, #tpu.memory_space<vmem>>
    %dma_start3A_338 = tpu.memref_squeeze %dma_start3A_337 : memref<1x80x128xf32, #tpu.memory_space<vmem>> -> memref<80x128xf32, #tpu.memory_space<vmem>>
    %dma_start3A_339 = arith.constant 0 : i32
    %dma_start3A_340 = tpu.memref_slice %arg6[%add3A_333, %dma_start3A_339] : memref<20480x128xf32, #tpu.memory_space<hbm>> -> memref<80x128xf32, #tpu.memory_space<hbm>>
    %dma_start3A_341 = arith.constant 0 : i32
    %dma_start3A_342 = tpu.memref_slice %arg6[%add3A_333, %dma_start3A_341] : memref<20480x128xf32, #tpu.memory_space<hbm>> -> memref<80x128xf32, #tpu.memory_space<hbm>>
    %dma_start3A_343 = arith.constant 0 : i32
    %dma_start3A_344 = arith.constant 0 : i32
    %dma_start3A_345 = tpu.memref_slice %arg10[%dma_start3A_334, %dma_start3A_343, %dma_start3A_344] : memref<3x80x128xf32, #tpu.memory_space<vmem>> -> memref<1x80x128xf32, #tpu.memory_space<vmem>>
    %dma_start3A_346 = tpu.memref_squeeze %dma_start3A_345 : memref<1x80x128xf32, #tpu.memory_space<vmem>> -> memref<80x128xf32, #tpu.memory_space<vmem>>
    tpu.enqueue_dma source(%dma_start3A_346 : memref<80x128xf32, #tpu.memory_space<vmem>>) target(%dma_start3A_342 : memref<80x128xf32, #tpu.memory_space<hbm>>) target_semaphore(%arg16 : memref<!tpu.dma_semaphore, #tpu.memory_space<semaphore_mem>>)
    %add3A_347 = arith.constant 0 : i32
    %add3A_348 = arith.addi %add3A_254, %add3A_347 : i32
    %dma_wait3A_349 = arith.constant 0 : i32
    %dma_wait3A_350 = arith.constant 0 : i32
    %dma_wait3A_351 = arith.constant 0 : i32
    %dma_wait3A_352 = tpu.memref_slice %arg10[%dma_wait3A_349, %dma_wait3A_350, %dma_wait3A_351] : memref<3x80x128xf32, #tpu.memory_space<vmem>> -> memref<1x80x128xf32, #tpu.memory_space<vmem>>
    %dma_wait3A_353 = tpu.memref_squeeze %dma_wait3A_352 : memref<1x80x128xf32, #tpu.memory_space<vmem>> -> memref<80x128xf32, #tpu.memory_space<vmem>>
    %dma_wait3A_354 = arith.constant 0 : i32
    %dma_wait3A_355 = tpu.memref_slice %arg6[%add3A_348, %dma_wait3A_354] : memref<20480x128xf32, #tpu.memory_space<hbm>> -> memref<80x128xf32, #tpu.memory_space<hbm>>
    %dma_wait3A_356 = arith.constant 0 : i32
    %dma_wait3A_357 = tpu.memref_slice %arg6[%add3A_348, %dma_wait3A_356] : memref<20480x128xf32, #tpu.memory_space<hbm>> -> memref<80x128xf32, #tpu.memory_space<hbm>>
    %dma_wait3A_358 = arith.constant 0 : i32
    %dma_wait3A_359 = arith.constant 0 : i32
    %dma_wait3A_360 = tpu.memref_slice %arg10[%dma_wait3A_349, %dma_wait3A_358, %dma_wait3A_359] : memref<3x80x128xf32, #tpu.memory_space<vmem>> -> memref<1x80x128xf32, #tpu.memory_space<vmem>>
    %dma_wait3A_361 = tpu.memref_squeeze %dma_wait3A_360 : memref<1x80x128xf32, #tpu.memory_space<vmem>> -> memref<80x128xf32, #tpu.memory_space<vmem>>
    tpu.wait_dma2 semaphore(%arg15 : memref<!tpu.dma_semaphore, #tpu.memory_space<semaphore_mem>>) src(%dma_wait3A_361 : memref<80x128xf32, #tpu.memory_space<vmem>>) dst(%dma_wait3A_357 : memref<80x128xf32, #tpu.memory_space<hbm>>)
    %add3A_362 = arith.constant 160 : i32
    %add3A_363 = arith.addi %mul3A_2, %add3A_362 : i32
    %dma_start3A_364 = arith.constant 0 : i32
    %dma_start3A_365 = arith.constant 0 : i32
    %dma_start3A_366 = arith.constant 0 : i32
    %dma_start3A_367 = tpu.memref_slice %arg10[%dma_start3A_364, %dma_start3A_365, %dma_start3A_366] : memref<3x80x128xf32, #tpu.memory_space<vmem>> -> memref<1x80x128xf32, #tpu.memory_space<vmem>>
    %dma_start3A_368 = tpu.memref_squeeze %dma_start3A_367 : memref<1x80x128xf32, #tpu.memory_space<vmem>> -> memref<80x128xf32, #tpu.memory_space<vmem>>
    %dma_start3A_369 = arith.constant 0 : i32
    %dma_start3A_370 = tpu.memref_slice %arg8[%add3A_363, %dma_start3A_369] : memref<10240x128xf32, #tpu.memory_space<vmem_shared>> -> memref<80x128xf32, #tpu.memory_space<vmem_shared>>
    %dma_start3A_371 = arith.constant 0 : i32
    %dma_start3A_372 = arith.constant 0 : i32
    %dma_start3A_373 = tpu.memref_slice %arg10[%dma_start3A_364, %dma_start3A_371, %dma_start3A_372] : memref<3x80x128xf32, #tpu.memory_space<vmem>> -> memref<1x80x128xf32, #tpu.memory_space<vmem>>
    %dma_start3A_374 = tpu.memref_squeeze %dma_start3A_373 : memref<1x80x128xf32, #tpu.memory_space<vmem>> -> memref<80x128xf32, #tpu.memory_space<vmem>>
    %dma_start3A_375 = arith.constant 0 : i32
    %dma_start3A_376 = tpu.memref_slice %arg8[%add3A_363, %dma_start3A_375] : memref<10240x128xf32, #tpu.memory_space<vmem_shared>> -> memref<80x128xf32, #tpu.memory_space<vmem_shared>>
    tpu.enqueue_dma source(%dma_start3A_376 : memref<80x128xf32, #tpu.memory_space<vmem_shared>>) target(%dma_start3A_374 : memref<80x128xf32, #tpu.memory_space<vmem>>) target_semaphore(%arg12 : memref<!tpu.dma_semaphore, #tpu.memory_space<semaphore_mem>>)
    %add3A_377 = arith.constant 160 : i32
    %add3A_378 = arith.addi %mul3A_2, %add3A_377 : i32
    %dma_wait3A_379 = arith.constant 0 : i32
    %dma_wait3A_380 = arith.constant 0 : i32
    %dma_wait3A_381 = arith.constant 0 : i32
    %dma_wait3A_382 = tpu.memref_slice %arg10[%dma_wait3A_379, %dma_wait3A_380, %dma_wait3A_381] : memref<3x80x128xf32, #tpu.memory_space<vmem>> -> memref<1x80x128xf32, #tpu.memory_space<vmem>>
    %dma_wait3A_383 = tpu.memref_squeeze %dma_wait3A_382 : memref<1x80x128xf32, #tpu.memory_space<vmem>> -> memref<80x128xf32, #tpu.memory_space<vmem>>
    %dma_wait3A_384 = arith.constant 0 : i32
    %dma_wait3A_385 = tpu.memref_slice %arg8[%add3A_378, %dma_wait3A_384] : memref<10240x128xf32, #tpu.memory_space<vmem_shared>> -> memref<80x128xf32, #tpu.memory_space<vmem_shared>>
    %dma_wait3A_386 = arith.constant 0 : i32
    %dma_wait3A_387 = arith.constant 0 : i32
    %dma_wait3A_388 = tpu.memref_slice %arg10[%dma_wait3A_379, %dma_wait3A_386, %dma_wait3A_387] : memref<3x80x128xf32, #tpu.memory_space<vmem>> -> memref<1x80x128xf32, #tpu.memory_space<vmem>>
    %dma_wait3A_389 = tpu.memref_squeeze %dma_wait3A_388 : memref<1x80x128xf32, #tpu.memory_space<vmem>> -> memref<80x128xf32, #tpu.memory_space<vmem>>
    %dma_wait3A_390 = arith.constant 0 : i32
    %dma_wait3A_391 = tpu.memref_slice %arg8[%add3A_378, %dma_wait3A_390] : memref<10240x128xf32, #tpu.memory_space<vmem_shared>> -> memref<80x128xf32, #tpu.memory_space<vmem_shared>>
    tpu.wait_dma2 semaphore(%arg12 : memref<!tpu.dma_semaphore, #tpu.memory_space<semaphore_mem>>) src(%dma_wait3A_391 : memref<80x128xf32, #tpu.memory_space<vmem_shared>>) dst(%dma_wait3A_389 : memref<80x128xf32, #tpu.memory_space<vmem>>)
    %add3A_392 = arith.constant 160 : i32
    %add3A_393 = arith.addi %add3A_254, %add3A_392 : i32
    %dma_start3A_394 = arith.constant 0 : i32
    %dma_start3A_395 = arith.constant 0 : i32
    %dma_start3A_396 = arith.constant 0 : i32
    %dma_start3A_397 = tpu.memref_slice %arg10[%dma_start3A_394, %dma_start3A_395, %dma_start3A_396] : memref<3x80x128xf32, #tpu.memory_space<vmem>> -> memref<1x80x128xf32, #tpu.memory_space<vmem>>
    %dma_start3A_398 = tpu.memref_squeeze %dma_start3A_397 : memref<1x80x128xf32, #tpu.memory_space<vmem>> -> memref<80x128xf32, #tpu.memory_space<vmem>>
    %dma_start3A_399 = arith.constant 0 : i32
    %dma_start3A_400 = tpu.memref_slice %arg6[%add3A_393, %dma_start3A_399] : memref<20480x128xf32, #tpu.memory_space<hbm>> -> memref<80x128xf32, #tpu.memory_space<hbm>>
    %dma_start3A_401 = arith.constant 0 : i32
    %dma_start3A_402 = tpu.memref_slice %arg6[%add3A_393, %dma_start3A_401] : memref<20480x128xf32, #tpu.memory_space<hbm>> -> memref<80x128xf32, #tpu.memory_space<hbm>>
    %dma_start3A_403 = arith.constant 0 : i32
    %dma_start3A_404 = arith.constant 0 : i32
    %dma_start3A_405 = tpu.memref_slice %arg10[%dma_start3A_394, %dma_start3A_403, %dma_start3A_404] : memref<3x80x128xf32, #tpu.memory_space<vmem>> -> memref<1x80x128xf32, #tpu.memory_space<vmem>>
    %dma_start3A_406 = tpu.memref_squeeze %dma_start3A_405 : memref<1x80x128xf32, #tpu.memory_space<vmem>> -> memref<80x128xf32, #tpu.memory_space<vmem>>
    tpu.enqueue_dma source(%dma_start3A_406 : memref<80x128xf32, #tpu.memory_space<vmem>>) target(%dma_start3A_402 : memref<80x128xf32, #tpu.memory_space<hbm>>) target_semaphore(%arg15 : memref<!tpu.dma_semaphore, #tpu.memory_space<semaphore_mem>>)
    %add3A_407 = arith.constant 80 : i32
    %add3A_408 = arith.addi %add3A_254, %add3A_407 : i32
    %dma_wait3A_409 = arith.constant 1 : i32
    %dma_wait3A_410 = arith.constant 0 : i32
    %dma_wait3A_411 = arith.constant 0 : i32
    %dma_wait3A_412 = tpu.memref_slice %arg10[%dma_wait3A_409, %dma_wait3A_410, %dma_wait3A_411] : memref<3x80x128xf32, #tpu.memory_space<vmem>> -> memref<1x80x128xf32, #tpu.memory_space<vmem>>
    %dma_wait3A_413 = tpu.memref_squeeze %dma_wait3A_412 : memref<1x80x128xf32, #tpu.memory_space<vmem>> -> memref<80x128xf32, #tpu.memory_space<vmem>>
    %dma_wait3A_414 = arith.constant 0 : i32
    %dma_wait3A_415 = tpu.memref_slice %arg6[%add3A_408, %dma_wait3A_414] : memref<20480x128xf32, #tpu.memory_space<hbm>> -> memref<80x128xf32, #tpu.memory_space<hbm>>
    %dma_wait3A_416 = arith.constant 0 : i32
    %dma_wait3A_417 = tpu.memref_slice %arg6[%add3A_408, %dma_wait3A_416] : memref<20480x128xf32, #tpu.memory_space<hbm>> -> memref<80x128xf32, #tpu.memory_space<hbm>>
    %dma_wait3A_418 = arith.constant 0 : i32
    %dma_wait3A_419 = arith.constant 0 : i32
    %dma_wait3A_420 = tpu.memref_slice %arg10[%dma_wait3A_409, %dma_wait3A_418, %dma_wait3A_419] : memref<3x80x128xf32, #tpu.memory_space<vmem>> -> memref<1x80x128xf32, #tpu.memory_space<vmem>>
    %dma_wait3A_421 = tpu.memref_squeeze %dma_wait3A_420 : memref<1x80x128xf32, #tpu.memory_space<vmem>> -> memref<80x128xf32, #tpu.memory_space<vmem>>
    tpu.wait_dma2 semaphore(%arg16 : memref<!tpu.dma_semaphore, #tpu.memory_space<semaphore_mem>>) src(%dma_wait3A_421 : memref<80x128xf32, #tpu.memory_space<vmem>>) dst(%dma_wait3A_417 : memref<80x128xf32, #tpu.memory_space<hbm>>)
    %add3A_422 = arith.constant 240 : i32
    %add3A_423 = arith.addi %mul3A_2, %add3A_422 : i32
    %dma_start3A_424 = arith.constant 1 : i32
    %dma_start3A_425 = arith.constant 0 : i32
    %dma_start3A_426 = arith.constant 0 : i32
    %dma_start3A_427 = tpu.memref_slice %arg10[%dma_start3A_424, %dma_start3A_425, %dma_start3A_426] : memref<3x80x128xf32, #tpu.memory_space<vmem>> -> memref<1x80x128xf32, #tpu.memory_space<vmem>>
    %dma_start3A_428 = tpu.memref_squeeze %dma_start3A_427 : memref<1x80x128xf32, #tpu.memory_space<vmem>> -> memref<80x128xf32, #tpu.memory_space<vmem>>
    %dma_start3A_429 = arith.constant 0 : i32
    %dma_start3A_430 = tpu.memref_slice %arg8[%add3A_423, %dma_start3A_429] : memref<10240x128xf32, #tpu.memory_space<vmem_shared>> -> memref<80x128xf32, #tpu.memory_space<vmem_shared>>
    %dma_start3A_431 = arith.constant 0 : i32
    %dma_start3A_432 = arith.constant 0 : i32
    %dma_start3A_433 = tpu.memref_slice %arg10[%dma_start3A_424, %dma_start3A_431, %dma_start3A_432] : memref<3x80x128xf32, #tpu.memory_space<vmem>> -> memref<1x80x128xf32, #tpu.memory_space<vmem>>
    %dma_start3A_434 = tpu.memref_squeeze %dma_start3A_433 : memref<1x80x128xf32, #tpu.memory_space<vmem>> -> memref<80x128xf32, #tpu.memory_space<vmem>>
    %dma_start3A_435 = arith.constant 0 : i32
    %dma_start3A_436 = tpu.memref_slice %arg8[%add3A_423, %dma_start3A_435] : memref<10240x128xf32, #tpu.memory_space<vmem_shared>> -> memref<80x128xf32, #tpu.memory_space<vmem_shared>>
    tpu.enqueue_dma source(%dma_start3A_436 : memref<80x128xf32, #tpu.memory_space<vmem_shared>>) target(%dma_start3A_434 : memref<80x128xf32, #tpu.memory_space<vmem>>) target_semaphore(%arg13 : memref<!tpu.dma_semaphore, #tpu.memory_space<semaphore_mem>>)
    %add3A_437 = arith.constant 240 : i32
    %add3A_438 = arith.addi %mul3A_2, %add3A_437 : i32
    %dma_wait3A_439 = arith.constant 1 : i32
    %dma_wait3A_440 = arith.constant 0 : i32
    %dma_wait3A_441 = arith.constant 0 : i32
    %dma_wait3A_442 = tpu.memref_slice %arg10[%dma_wait3A_439, %dma_wait3A_440, %dma_wait3A_441] : memref<3x80x128xf32, #tpu.memory_space<vmem>> -> memref<1x80x128xf32, #tpu.memory_space<vmem>>
    %dma_wait3A_443 = tpu.memref_squeeze %dma_wait3A_442 : memref<1x80x128xf32, #tpu.memory_space<vmem>> -> memref<80x128xf32, #tpu.memory_space<vmem>>
    %dma_wait3A_444 = arith.constant 0 : i32
    %dma_wait3A_445 = tpu.memref_slice %arg8[%add3A_438, %dma_wait3A_444] : memref<10240x128xf32, #tpu.memory_space<vmem_shared>> -> memref<80x128xf32, #tpu.memory_space<vmem_shared>>
    %dma_wait3A_446 = arith.constant 0 : i32
    %dma_wait3A_447 = arith.constant 0 : i32
    %dma_wait3A_448 = tpu.memref_slice %arg10[%dma_wait3A_439, %dma_wait3A_446, %dma_wait3A_447] : memref<3x80x128xf32, #tpu.memory_space<vmem>> -> memref<1x80x128xf32, #tpu.memory_space<vmem>>
    %dma_wait3A_449 = tpu.memref_squeeze %dma_wait3A_448 : memref<1x80x128xf32, #tpu.memory_space<vmem>> -> memref<80x128xf32, #tpu.memory_space<vmem>>
    %dma_wait3A_450 = arith.constant 0 : i32
    %dma_wait3A_451 = tpu.memref_slice %arg8[%add3A_438, %dma_wait3A_450] : memref<10240x128xf32, #tpu.memory_space<vmem_shared>> -> memref<80x128xf32, #tpu.memory_space<vmem_shared>>
    tpu.wait_dma2 semaphore(%arg13 : memref<!tpu.dma_semaphore, #tpu.memory_space<semaphore_mem>>) src(%dma_wait3A_451 : memref<80x128xf32, #tpu.memory_space<vmem_shared>>) dst(%dma_wait3A_449 : memref<80x128xf32, #tpu.memory_space<vmem>>)
    %add3A_452 = arith.constant 240 : i32
    %add3A_453 = arith.addi %add3A_254, %add3A_452 : i32
    %dma_start3A_454 = arith.constant 1 : i32
    %dma_start3A_455 = arith.constant 0 : i32
    %dma_start3A_456 = arith.constant 0 : i32
    %dma_start3A_457 = tpu.memref_slice %arg10[%dma_start3A_454, %dma_start3A_455, %dma_start3A_456] : memref<3x80x128xf32, #tpu.memory_space<vmem>> -> memref<1x80x128xf32, #tpu.memory_space<vmem>>
    %dma_start3A_458 = tpu.memref_squeeze %dma_start3A_457 : memref<1x80x128xf32, #tpu.memory_space<vmem>> -> memref<80x128xf32, #tpu.memory_space<vmem>>
    %dma_start3A_459 = arith.constant 0 : i32
    %dma_start3A_460 = tpu.memref_slice %arg6[%add3A_453, %dma_start3A_459] : memref<20480x128xf32, #tpu.memory_space<hbm>> -> memref<80x128xf32, #tpu.memory_space<hbm>>
    %dma_start3A_461 = arith.constant 0 : i32
    %dma_start3A_462 = tpu.memref_slice %arg6[%add3A_453, %dma_start3A_461] : memref<20480x128xf32, #tpu.memory_space<hbm>> -> memref<80x128xf32, #tpu.memory_space<hbm>>
    %dma_start3A_463 = arith.constant 0 : i32
    %dma_start3A_464 = arith.constant 0 : i32
    %dma_start3A_465 = tpu.memref_slice %arg10[%dma_start3A_454, %dma_start3A_463, %dma_start3A_464] : memref<3x80x128xf32, #tpu.memory_space<vmem>> -> memref<1x80x128xf32, #tpu.memory_space<vmem>>
    %dma_start3A_466 = tpu.memref_squeeze %dma_start3A_465 : memref<1x80x128xf32, #tpu.memory_space<vmem>> -> memref<80x128xf32, #tpu.memory_space<vmem>>
    tpu.enqueue_dma source(%dma_start3A_466 : memref<80x128xf32, #tpu.memory_space<vmem>>) target(%dma_start3A_462 : memref<80x128xf32, #tpu.memory_space<hbm>>) target_semaphore(%arg16 : memref<!tpu.dma_semaphore, #tpu.memory_space<semaphore_mem>>)
    %add3A_467 = arith.constant 160 : i32
    %add3A_468 = arith.addi %add3A_254, %add3A_467 : i32
    %dma_wait3A_469 = arith.constant 0 : i32
    %dma_wait3A_470 = arith.constant 0 : i32
    %dma_wait3A_471 = arith.constant 0 : i32
    %dma_wait3A_472 = tpu.memref_slice %arg10[%dma_wait3A_469, %dma_wait3A_470, %dma_wait3A_471] : memref<3x80x128xf32, #tpu.memory_space<vmem>> -> memref<1x80x128xf32, #tpu.memory_space<vmem>>
    %dma_wait3A_473 = tpu.memref_squeeze %dma_wait3A_472 : memref<1x80x128xf32, #tpu.memory_space<vmem>> -> memref<80x128xf32, #tpu.memory_space<vmem>>
    %dma_wait3A_474 = arith.constant 0 : i32
    %dma_wait3A_475 = tpu.memref_slice %arg6[%add3A_468, %dma_wait3A_474] : memref<20480x128xf32, #tpu.memory_space<hbm>> -> memref<80x128xf32, #tpu.memory_space<hbm>>
    %dma_wait3A_476 = arith.constant 0 : i32
    %dma_wait3A_477 = tpu.memref_slice %arg6[%add3A_468, %dma_wait3A_476] : memref<20480x128xf32, #tpu.memory_space<hbm>> -> memref<80x128xf32, #tpu.memory_space<hbm>>
    %dma_wait3A_478 = arith.constant 0 : i32
    %dma_wait3A_479 = arith.constant 0 : i32
    %dma_wait3A_480 = tpu.memref_slice %arg10[%dma_wait3A_469, %dma_wait3A_478, %dma_wait3A_479] : memref<3x80x128xf32, #tpu.memory_space<vmem>> -> memref<1x80x128xf32, #tpu.memory_space<vmem>>
    %dma_wait3A_481 = tpu.memref_squeeze %dma_wait3A_480 : memref<1x80x128xf32, #tpu.memory_space<vmem>> -> memref<80x128xf32, #tpu.memory_space<vmem>>
    tpu.wait_dma2 semaphore(%arg15 : memref<!tpu.dma_semaphore, #tpu.memory_space<semaphore_mem>>) src(%dma_wait3A_481 : memref<80x128xf32, #tpu.memory_space<vmem>>) dst(%dma_wait3A_477 : memref<80x128xf32, #tpu.memory_space<hbm>>)
    %add3A_482 = arith.constant 320 : i32
    %add3A_483 = arith.addi %mul3A_2, %add3A_482 : i32
    %dma_start3A_484 = arith.constant 0 : i32
    %dma_start3A_485 = arith.constant 0 : i32
    %dma_start3A_486 = arith.constant 0 : i32
    %dma_start3A_487 = tpu.memref_slice %arg10[%dma_start3A_484, %dma_start3A_485, %dma_start3A_486] : memref<3x80x128xf32, #tpu.memory_space<vmem>> -> memref<1x80x128xf32, #tpu.memory_space<vmem>>
    %dma_start3A_488 = tpu.memref_squeeze %dma_start3A_487 : memref<1x80x128xf32, #tpu.memory_space<vmem>> -> memref<80x128xf32, #tpu.memory_space<vmem>>
    %dma_start3A_489 = arith.constant 0 : i32
    %dma_start3A_490 = tpu.memref_slice %arg8[%add3A_483, %dma_start3A_489] : memref<10240x128xf32, #tpu.memory_space<vmem_shared>> -> memref<80x128xf32, #tpu.memory_space<vmem_shared>>
    %dma_start3A_491 = arith.constant 0 : i32
    %dma_start3A_492 = arith.constant 0 : i32
    %dma_start3A_493 = tpu.memref_slice %arg10[%dma_start3A_484, %dma_start3A_491, %dma_start3A_492] : memref<3x80x128xf32, #tpu.memory_space<vmem>> -> memref<1x80x128xf32, #tpu.memory_space<vmem>>
    %dma_start3A_494 = tpu.memref_squeeze %dma_start3A_493 : memref<1x80x128xf32, #tpu.memory_space<vmem>> -> memref<80x128xf32, #tpu.memory_space<vmem>>
    %dma_start3A_495 = arith.constant 0 : i32
    %dma_start3A_496 = tpu.memref_slice %arg8[%add3A_483, %dma_start3A_495] : memref<10240x128xf32, #tpu.memory_space<vmem_shared>> -> memref<80x128xf32, #tpu.memory_space<vmem_shared>>
    tpu.enqueue_dma source(%dma_start3A_496 : memref<80x128xf32, #tpu.memory_space<vmem_shared>>) target(%dma_start3A_494 : memref<80x128xf32, #tpu.memory_space<vmem>>) target_semaphore(%arg12 : memref<!tpu.dma_semaphore, #tpu.memory_space<semaphore_mem>>)
    %add3A_497 = arith.constant 320 : i32
    %add3A_498 = arith.addi %mul3A_2, %add3A_497 : i32
    %dma_wait3A_499 = arith.constant 0 : i32
    %dma_wait3A_500 = arith.constant 0 : i32
    %dma_wait3A_501 = arith.constant 0 : i32
    %dma_wait3A_502 = tpu.memref_slice %arg10[%dma_wait3A_499, %dma_wait3A_500, %dma_wait3A_501] : memref<3x80x128xf32, #tpu.memory_space<vmem>> -> memref<1x80x128xf32, #tpu.memory_space<vmem>>
    %dma_wait3A_503 = tpu.memref_squeeze %dma_wait3A_502 : memref<1x80x128xf32, #tpu.memory_space<vmem>> -> memref<80x128xf32, #tpu.memory_space<vmem>>
    %dma_wait3A_504 = arith.constant 0 : i32
    %dma_wait3A_505 = tpu.memref_slice %arg8[%add3A_498, %dma_wait3A_504] : memref<10240x128xf32, #tpu.memory_space<vmem_shared>> -> memref<80x128xf32, #tpu.memory_space<vmem_shared>>
    %dma_wait3A_506 = arith.constant 0 : i32
    %dma_wait3A_507 = arith.constant 0 : i32
    %dma_wait3A_508 = tpu.memref_slice %arg10[%dma_wait3A_499, %dma_wait3A_506, %dma_wait3A_507] : memref<3x80x128xf32, #tpu.memory_space<vmem>> -> memref<1x80x128xf32, #tpu.memory_space<vmem>>
    %dma_wait3A_509 = tpu.memref_squeeze %dma_wait3A_508 : memref<1x80x128xf32, #tpu.memory_space<vmem>> -> memref<80x128xf32, #tpu.memory_space<vmem>>
    %dma_wait3A_510 = arith.constant 0 : i32
    %dma_wait3A_511 = tpu.memref_slice %arg8[%add3A_498, %dma_wait3A_510] : memref<10240x128xf32, #tpu.memory_space<vmem_shared>> -> memref<80x128xf32, #tpu.memory_space<vmem_shared>>
    tpu.wait_dma2 semaphore(%arg12 : memref<!tpu.dma_semaphore, #tpu.memory_space<semaphore_mem>>) src(%dma_wait3A_511 : memref<80x128xf32, #tpu.memory_space<vmem_shared>>) dst(%dma_wait3A_509 : memref<80x128xf32, #tpu.memory_space<vmem>>)
    %add3A_512 = arith.constant 320 : i32
    %add3A_513 = arith.addi %add3A_254, %add3A_512 : i32
    %dma_start3A_514 = arith.constant 0 : i32
    %dma_start3A_515 = arith.constant 0 : i32
    %dma_start3A_516 = arith.constant 0 : i32
    %dma_start3A_517 = tpu.memref_slice %arg10[%dma_start3A_514, %dma_start3A_515, %dma_start3A_516] : memref<3x80x128xf32, #tpu.memory_space<vmem>> -> memref<1x80x128xf32, #tpu.memory_space<vmem>>
    %dma_start3A_518 = tpu.memref_squeeze %dma_start3A_517 : memref<1x80x128xf32, #tpu.memory_space<vmem>> -> memref<80x128xf32, #tpu.memory_space<vmem>>
    %dma_start3A_519 = arith.constant 0 : i32
    %dma_start3A_520 = tpu.memref_slice %arg6[%add3A_513, %dma_start3A_519] : memref<20480x128xf32, #tpu.memory_space<hbm>> -> memref<80x128xf32, #tpu.memory_space<hbm>>
    %dma_start3A_521 = arith.constant 0 : i32
    %dma_start3A_522 = tpu.memref_slice %arg6[%add3A_513, %dma_start3A_521] : memref<20480x128xf32, #tpu.memory_space<hbm>> -> memref<80x128xf32, #tpu.memory_space<hbm>>
    %dma_start3A_523 = arith.constant 0 : i32
    %dma_start3A_524 = arith.constant 0 : i32
    %dma_start3A_525 = tpu.memref_slice %arg10[%dma_start3A_514, %dma_start3A_523, %dma_start3A_524] : memref<3x80x128xf32, #tpu.memory_space<vmem>> -> memref<1x80x128xf32, #tpu.memory_space<vmem>>
    %dma_start3A_526 = tpu.memref_squeeze %dma_start3A_525 : memref<1x80x128xf32, #tpu.memory_space<vmem>> -> memref<80x128xf32, #tpu.memory_space<vmem>>
    tpu.enqueue_dma source(%dma_start3A_526 : memref<80x128xf32, #tpu.memory_space<vmem>>) target(%dma_start3A_522 : memref<80x128xf32, #tpu.memory_space<hbm>>) target_semaphore(%arg15 : memref<!tpu.dma_semaphore, #tpu.memory_space<semaphore_mem>>)
    %add3A_527 = arith.constant 240 : i32
    %add3A_528 = arith.addi %add3A_254, %add3A_527 : i32
    %dma_wait3A_529 = arith.constant 1 : i32
    %dma_wait3A_530 = arith.constant 0 : i32
    %dma_wait3A_531 = arith.constant 0 : i32
    %dma_wait3A_532 = tpu.memref_slice %arg10[%dma_wait3A_529, %dma_wait3A_530, %dma_wait3A_531] : memref<3x80x128xf32, #tpu.memory_space<vmem>> -> memref<1x80x128xf32, #tpu.memory_space<vmem>>
    %dma_wait3A_533 = tpu.memref_squeeze %dma_wait3A_532 : memref<1x80x128xf32, #tpu.memory_space<vmem>> -> memref<80x128xf32, #tpu.memory_space<vmem>>
    %dma_wait3A_534 = arith.constant 0 : i32
    %dma_wait3A_535 = tpu.memref_slice %arg6[%add3A_528, %dma_wait3A_534] : memref<20480x128xf32, #tpu.memory_space<hbm>> -> memref<80x128xf32, #tpu.memory_space<hbm>>
    %dma_wait3A_536 = arith.constant 0 : i32
    %dma_wait3A_537 = tpu.memref_slice %arg6[%add3A_528, %dma_wait3A_536] : memref<20480x128xf32, #tpu.memory_space<hbm>> -> memref<80x128xf32, #tpu.memory_space<hbm>>
    %dma_wait3A_538 = arith.constant 0 : i32
    %dma_wait3A_539 = arith.constant 0 : i32
    %dma_wait3A_540 = tpu.memref_slice %arg10[%dma_wait3A_529, %dma_wait3A_538, %dma_wait3A_539] : memref<3x80x128xf32, #tpu.memory_space<vmem>> -> memref<1x80x128xf32, #tpu.memory_space<vmem>>
    %dma_wait3A_541 = tpu.memref_squeeze %dma_wait3A_540 : memref<1x80x128xf32, #tpu.memory_space<vmem>> -> memref<80x128xf32, #tpu.memory_space<vmem>>
    tpu.wait_dma2 semaphore(%arg16 : memref<!tpu.dma_semaphore, #tpu.memory_space<semaphore_mem>>) src(%dma_wait3A_541 : memref<80x128xf32, #tpu.memory_space<vmem>>) dst(%dma_wait3A_537 : memref<80x128xf32, #tpu.memory_space<hbm>>)
    %add3A_542 = arith.constant 400 : i32
    %add3A_543 = arith.addi %mul3A_2, %add3A_542 : i32
    %dma_start3A_544 = arith.constant 1 : i32
    %dma_start3A_545 = arith.constant 0 : i32
    %dma_start3A_546 = arith.constant 0 : i32
    %dma_start3A_547 = tpu.memref_slice %arg10[%dma_start3A_544, %dma_start3A_545, %dma_start3A_546] : memref<3x80x128xf32, #tpu.memory_space<vmem>> -> memref<1x80x128xf32, #tpu.memory_space<vmem>>
    %dma_start3A_548 = tpu.memref_squeeze %dma_start3A_547 : memref<1x80x128xf32, #tpu.memory_space<vmem>> -> memref<80x128xf32, #tpu.memory_space<vmem>>
    %dma_start3A_549 = arith.constant 0 : i32
    %dma_start3A_550 = tpu.memref_slice %arg8[%add3A_543, %dma_start3A_549] : memref<10240x128xf32, #tpu.memory_space<vmem_shared>> -> memref<80x128xf32, #tpu.memory_space<vmem_shared>>
    %dma_start3A_551 = arith.constant 0 : i32
    %dma_start3A_552 = arith.constant 0 : i32
    %dma_start3A_553 = tpu.memref_slice %arg10[%dma_start3A_544, %dma_start3A_551, %dma_start3A_552] : memref<3x80x128xf32, #tpu.memory_space<vmem>> -> memref<1x80x128xf32, #tpu.memory_space<vmem>>
    %dma_start3A_554 = tpu.memref_squeeze %dma_start3A_553 : memref<1x80x128xf32, #tpu.memory_space<vmem>> -> memref<80x128xf32, #tpu.memory_space<vmem>>
    %dma_start3A_555 = arith.constant 0 : i32
    %dma_start3A_556 = tpu.memref_slice %arg8[%add3A_543, %dma_start3A_555] : memref<10240x128xf32, #tpu.memory_space<vmem_shared>> -> memref<80x128xf32, #tpu.memory_space<vmem_shared>>
    tpu.enqueue_dma source(%dma_start3A_556 : memref<80x128xf32, #tpu.memory_space<vmem_shared>>) target(%dma_start3A_554 : memref<80x128xf32, #tpu.memory_space<vmem>>) target_semaphore(%arg13 : memref<!tpu.dma_semaphore, #tpu.memory_space<semaphore_mem>>)
    %add3A_557 = arith.constant 400 : i32
    %add3A_558 = arith.addi %mul3A_2, %add3A_557 : i32
    %dma_wait3A_559 = arith.constant 1 : i32
    %dma_wait3A_560 = arith.constant 0 : i32
    %dma_wait3A_561 = arith.constant 0 : i32
    %dma_wait3A_562 = tpu.memref_slice %arg10[%dma_wait3A_559, %dma_wait3A_560, %dma_wait3A_561] : memref<3x80x128xf32, #tpu.memory_space<vmem>> -> memref<1x80x128xf32, #tpu.memory_space<vmem>>
    %dma_wait3A_563 = tpu.memref_squeeze %dma_wait3A_562 : memref<1x80x128xf32, #tpu.memory_space<vmem>> -> memref<80x128xf32, #tpu.memory_space<vmem>>
    %dma_wait3A_564 = arith.constant 0 : i32
    %dma_wait3A_565 = tpu.memref_slice %arg8[%add3A_558, %dma_wait3A_564] : memref<10240x128xf32, #tpu.memory_space<vmem_shared>> -> memref<80x128xf32, #tpu.memory_space<vmem_shared>>
    %dma_wait3A_566 = arith.constant 0 : i32
    %dma_wait3A_567 = arith.constant 0 : i32
    %dma_wait3A_568 = tpu.memref_slice %arg10[%dma_wait3A_559, %dma_wait3A_566, %dma_wait3A_567] : memref<3x80x128xf32, #tpu.memory_space<vmem>> -> memref<1x80x128xf32, #tpu.memory_space<vmem>>
    %dma_wait3A_569 = tpu.memref_squeeze %dma_wait3A_568 : memref<1x80x128xf32, #tpu.memory_space<vmem>> -> memref<80x128xf32, #tpu.memory_space<vmem>>
    %dma_wait3A_570 = arith.constant 0 : i32
    %dma_wait3A_571 = tpu.memref_slice %arg8[%add3A_558, %dma_wait3A_570] : memref<10240x128xf32, #tpu.memory_space<vmem_shared>> -> memref<80x128xf32, #tpu.memory_space<vmem_shared>>
    tpu.wait_dma2 semaphore(%arg13 : memref<!tpu.dma_semaphore, #tpu.memory_space<semaphore_mem>>) src(%dma_wait3A_571 : memref<80x128xf32, #tpu.memory_space<vmem_shared>>) dst(%dma_wait3A_569 : memref<80x128xf32, #tpu.memory_space<vmem>>)
    %add3A_572 = arith.constant 400 : i32
    %add3A_573 = arith.addi %add3A_254, %add3A_572 : i32
    %dma_start3A_574 = arith.constant 1 : i32
    %dma_start3A_575 = arith.constant 0 : i32
    %dma_start3A_576 = arith.constant 0 : i32
    %dma_start3A_577 = tpu.memref_slice %arg10[%dma_start3A_574, %dma_start3A_575, %dma_start3A_576] : memref<3x80x128xf32, #tpu.memory_space<vmem>> -> memref<1x80x128xf32, #tpu.memory_space<vmem>>
    %dma_start3A_578 = tpu.memref_squeeze %dma_start3A_577 : memref<1x80x128xf32, #tpu.memory_space<vmem>> -> memref<80x128xf32, #tpu.memory_space<vmem>>
    %dma_start3A_579 = arith.constant 0 : i32
    %dma_start3A_580 = tpu.memref_slice %arg6[%add3A_573, %dma_start3A_579] : memref<20480x128xf32, #tpu.memory_space<hbm>> -> memref<80x128xf32, #tpu.memory_space<hbm>>
    %dma_start3A_581 = arith.constant 0 : i32
    %dma_start3A_582 = tpu.memref_slice %arg6[%add3A_573, %dma_start3A_581] : memref<20480x128xf32, #tpu.memory_space<hbm>> -> memref<80x128xf32, #tpu.memory_space<hbm>>
    %dma_start3A_583 = arith.constant 0 : i32
    %dma_start3A_584 = arith.constant 0 : i32
    %dma_start3A_585 = tpu.memref_slice %arg10[%dma_start3A_574, %dma_start3A_583, %dma_start3A_584] : memref<3x80x128xf32, #tpu.memory_space<vmem>> -> memref<1x80x128xf32, #tpu.memory_space<vmem>>
    %dma_start3A_586 = tpu.memref_squeeze %dma_start3A_585 : memref<1x80x128xf32, #tpu.memory_space<vmem>> -> memref<80x128xf32, #tpu.memory_space<vmem>>
    tpu.enqueue_dma source(%dma_start3A_586 : memref<80x128xf32, #tpu.memory_space<vmem>>) target(%dma_start3A_582 : memref<80x128xf32, #tpu.memory_space<hbm>>) target_semaphore(%arg16 : memref<!tpu.dma_semaphore, #tpu.memory_space<semaphore_mem>>)
    %add3A_587 = arith.constant 320 : i32
    %add3A_588 = arith.addi %add3A_254, %add3A_587 : i32
    %dma_wait3A_589 = arith.constant 0 : i32
    %dma_wait3A_590 = arith.constant 0 : i32
    %dma_wait3A_591 = arith.constant 0 : i32
    %dma_wait3A_592 = tpu.memref_slice %arg10[%dma_wait3A_589, %dma_wait3A_590, %dma_wait3A_591] : memref<3x80x128xf32, #tpu.memory_space<vmem>> -> memref<1x80x128xf32, #tpu.memory_space<vmem>>
    %dma_wait3A_593 = tpu.memref_squeeze %dma_wait3A_592 : memref<1x80x128xf32, #tpu.memory_space<vmem>> -> memref<80x128xf32, #tpu.memory_space<vmem>>
    %dma_wait3A_594 = arith.constant 0 : i32
    %dma_wait3A_595 = tpu.memref_slice %arg6[%add3A_588, %dma_wait3A_594] : memref<20480x128xf32, #tpu.memory_space<hbm>> -> memref<80x128xf32, #tpu.memory_space<hbm>>
    %dma_wait3A_596 = arith.constant 0 : i32
    %dma_wait3A_597 = tpu.memref_slice %arg6[%add3A_588, %dma_wait3A_596] : memref<20480x128xf32, #tpu.memory_space<hbm>> -> memref<80x128xf32, #tpu.memory_space<hbm>>
    %dma_wait3A_598 = arith.constant 0 : i32
    %dma_wait3A_599 = arith.constant 0 : i32
    %dma_wait3A_600 = tpu.memref_slice %arg10[%dma_wait3A_589, %dma_wait3A_598, %dma_wait3A_599] : memref<3x80x128xf32, #tpu.memory_space<vmem>> -> memref<1x80x128xf32, #tpu.memory_space<vmem>>
    %dma_wait3A_601 = tpu.memref_squeeze %dma_wait3A_600 : memref<1x80x128xf32, #tpu.memory_space<vmem>> -> memref<80x128xf32, #tpu.memory_space<vmem>>
    tpu.wait_dma2 semaphore(%arg15 : memref<!tpu.dma_semaphore, #tpu.memory_space<semaphore_mem>>) src(%dma_wait3A_601 : memref<80x128xf32, #tpu.memory_space<vmem>>) dst(%dma_wait3A_597 : memref<80x128xf32, #tpu.memory_space<hbm>>)
    %add3A_602 = arith.constant 480 : i32
    %add3A_603 = arith.addi %mul3A_2, %add3A_602 : i32
    %dma_start3A_604 = arith.constant 0 : i32
    %dma_start3A_605 = arith.constant 0 : i32
    %dma_start3A_606 = arith.constant 0 : i32
    %dma_start3A_607 = tpu.memref_slice %arg10[%dma_start3A_604, %dma_start3A_605, %dma_start3A_606] : memref<3x80x128xf32, #tpu.memory_space<vmem>> -> memref<1x80x128xf32, #tpu.memory_space<vmem>>
    %dma_start3A_608 = tpu.memref_squeeze %dma_start3A_607 : memref<1x80x128xf32, #tpu.memory_space<vmem>> -> memref<80x128xf32, #tpu.memory_space<vmem>>
    %dma_start3A_609 = arith.constant 0 : i32
    %dma_start3A_610 = tpu.memref_slice %arg8[%add3A_603, %dma_start3A_609] : memref<10240x128xf32, #tpu.memory_space<vmem_shared>> -> memref<80x128xf32, #tpu.memory_space<vmem_shared>>
    %dma_start3A_611 = arith.constant 0 : i32
    %dma_start3A_612 = arith.constant 0 : i32
    %dma_start3A_613 = tpu.memref_slice %arg10[%dma_start3A_604, %dma_start3A_611, %dma_start3A_612] : memref<3x80x128xf32, #tpu.memory_space<vmem>> -> memref<1x80x128xf32, #tpu.memory_space<vmem>>
    %dma_start3A_614 = tpu.memref_squeeze %dma_start3A_613 : memref<1x80x128xf32, #tpu.memory_space<vmem>> -> memref<80x128xf32, #tpu.memory_space<vmem>>
    %dma_start3A_615 = arith.constant 0 : i32
    %dma_start3A_616 = tpu.memref_slice %arg8[%add3A_603, %dma_start3A_615] : memref<10240x128xf32, #tpu.memory_space<vmem_shared>> -> memref<80x128xf32, #tpu.memory_space<vmem_shared>>
    tpu.enqueue_dma source(%dma_start3A_616 : memref<80x128xf32, #tpu.memory_space<vmem_shared>>) target(%dma_start3A_614 : memref<80x128xf32, #tpu.memory_space<vmem>>) target_semaphore(%arg12 : memref<!tpu.dma_semaphore, #tpu.memory_space<semaphore_mem>>)
    %add3A_617 = arith.constant 480 : i32
    %add3A_618 = arith.addi %mul3A_2, %add3A_617 : i32
    %dma_wait3A_619 = arith.constant 0 : i32
    %dma_wait3A_620 = arith.constant 0 : i32
    %dma_wait3A_621 = arith.constant 0 : i32
    %dma_wait3A_622 = tpu.memref_slice %arg10[%dma_wait3A_619, %dma_wait3A_620, %dma_wait3A_621] : memref<3x80x128xf32, #tpu.memory_space<vmem>> -> memref<1x80x128xf32, #tpu.memory_space<vmem>>
    %dma_wait3A_623 = tpu.memref_squeeze %dma_wait3A_622 : memref<1x80x128xf32, #tpu.memory_space<vmem>> -> memref<80x128xf32, #tpu.memory_space<vmem>>
    %dma_wait3A_624 = arith.constant 0 : i32
    %dma_wait3A_625 = tpu.memref_slice %arg8[%add3A_618, %dma_wait3A_624] : memref<10240x128xf32, #tpu.memory_space<vmem_shared>> -> memref<80x128xf32, #tpu.memory_space<vmem_shared>>
    %dma_wait3A_626 = arith.constant 0 : i32
    %dma_wait3A_627 = arith.constant 0 : i32
    %dma_wait3A_628 = tpu.memref_slice %arg10[%dma_wait3A_619, %dma_wait3A_626, %dma_wait3A_627] : memref<3x80x128xf32, #tpu.memory_space<vmem>> -> memref<1x80x128xf32, #tpu.memory_space<vmem>>
    %dma_wait3A_629 = tpu.memref_squeeze %dma_wait3A_628 : memref<1x80x128xf32, #tpu.memory_space<vmem>> -> memref<80x128xf32, #tpu.memory_space<vmem>>
    %dma_wait3A_630 = arith.constant 0 : i32
    %dma_wait3A_631 = tpu.memref_slice %arg8[%add3A_618, %dma_wait3A_630] : memref<10240x128xf32, #tpu.memory_space<vmem_shared>> -> memref<80x128xf32, #tpu.memory_space<vmem_shared>>
    tpu.wait_dma2 semaphore(%arg12 : memref<!tpu.dma_semaphore, #tpu.memory_space<semaphore_mem>>) src(%dma_wait3A_631 : memref<80x128xf32, #tpu.memory_space<vmem_shared>>) dst(%dma_wait3A_629 : memref<80x128xf32, #tpu.memory_space<vmem>>)
    %add3A_632 = arith.constant 480 : i32
    %add3A_633 = arith.addi %add3A_254, %add3A_632 : i32
    %dma_start3A_634 = arith.constant 0 : i32
    %dma_start3A_635 = arith.constant 0 : i32
    %dma_start3A_636 = arith.constant 0 : i32
    %dma_start3A_637 = tpu.memref_slice %arg10[%dma_start3A_634, %dma_start3A_635, %dma_start3A_636] : memref<3x80x128xf32, #tpu.memory_space<vmem>> -> memref<1x80x128xf32, #tpu.memory_space<vmem>>
    %dma_start3A_638 = tpu.memref_squeeze %dma_start3A_637 : memref<1x80x128xf32, #tpu.memory_space<vmem>> -> memref<80x128xf32, #tpu.memory_space<vmem>>
    %dma_start3A_639 = arith.constant 0 : i32
    %dma_start3A_640 = tpu.memref_slice %arg6[%add3A_633, %dma_start3A_639] : memref<20480x128xf32, #tpu.memory_space<hbm>> -> memref<80x128xf32, #tpu.memory_space<hbm>>
    %dma_start3A_641 = arith.constant 0 : i32
    %dma_start3A_642 = tpu.memref_slice %arg6[%add3A_633, %dma_start3A_641] : memref<20480x128xf32, #tpu.memory_space<hbm>> -> memref<80x128xf32, #tpu.memory_space<hbm>>
    %dma_start3A_643 = arith.constant 0 : i32
    %dma_start3A_644 = arith.constant 0 : i32
    %dma_start3A_645 = tpu.memref_slice %arg10[%dma_start3A_634, %dma_start3A_643, %dma_start3A_644] : memref<3x80x128xf32, #tpu.memory_space<vmem>> -> memref<1x80x128xf32, #tpu.memory_space<vmem>>
    %dma_start3A_646 = tpu.memref_squeeze %dma_start3A_645 : memref<1x80x128xf32, #tpu.memory_space<vmem>> -> memref<80x128xf32, #tpu.memory_space<vmem>>
    tpu.enqueue_dma source(%dma_start3A_646 : memref<80x128xf32, #tpu.memory_space<vmem>>) target(%dma_start3A_642 : memref<80x128xf32, #tpu.memory_space<hbm>>) target_semaphore(%arg15 : memref<!tpu.dma_semaphore, #tpu.memory_space<semaphore_mem>>)
    %add3A_647 = arith.constant 400 : i32
    %add3A_648 = arith.addi %add3A_254, %add3A_647 : i32
    %dma_wait3A_649 = arith.constant 1 : i32
    %dma_wait3A_650 = arith.constant 0 : i32
    %dma_wait3A_651 = arith.constant 0 : i32
    %dma_wait3A_652 = tpu.memref_slice %arg10[%dma_wait3A_649, %dma_wait3A_650, %dma_wait3A_651] : memref<3x80x128xf32, #tpu.memory_space<vmem>> -> memref<1x80x128xf32, #tpu.memory_space<vmem>>
    %dma_wait3A_653 = tpu.memref_squeeze %dma_wait3A_652 : memref<1x80x128xf32, #tpu.memory_space<vmem>> -> memref<80x128xf32, #tpu.memory_space<vmem>>
    %dma_wait3A_654 = arith.constant 0 : i32
    %dma_wait3A_655 = tpu.memref_slice %arg6[%add3A_648, %dma_wait3A_654] : memref<20480x128xf32, #tpu.memory_space<hbm>> -> memref<80x128xf32, #tpu.memory_space<hbm>>
    %dma_wait3A_656 = arith.constant 0 : i32
    %dma_wait3A_657 = tpu.memref_slice %arg6[%add3A_648, %dma_wait3A_656] : memref<20480x128xf32, #tpu.memory_space<hbm>> -> memref<80x128xf32, #tpu.memory_space<hbm>>
    %dma_wait3A_658 = arith.constant 0 : i32
    %dma_wait3A_659 = arith.constant 0 : i32
    %dma_wait3A_660 = tpu.memref_slice %arg10[%dma_wait3A_649, %dma_wait3A_658, %dma_wait3A_659] : memref<3x80x128xf32, #tpu.memory_space<vmem>> -> memref<1x80x128xf32, #tpu.memory_space<vmem>>
    %dma_wait3A_661 = tpu.memref_squeeze %dma_wait3A_660 : memref<1x80x128xf32, #tpu.memory_space<vmem>> -> memref<80x128xf32, #tpu.memory_space<vmem>>
    tpu.wait_dma2 semaphore(%arg16 : memref<!tpu.dma_semaphore, #tpu.memory_space<semaphore_mem>>) src(%dma_wait3A_661 : memref<80x128xf32, #tpu.memory_space<vmem>>) dst(%dma_wait3A_657 : memref<80x128xf32, #tpu.memory_space<hbm>>)
    %add3A_662 = arith.constant 560 : i32
    %add3A_663 = arith.addi %mul3A_2, %add3A_662 : i32
    %dma_start3A_664 = arith.constant 1 : i32
    %dma_start3A_665 = arith.constant 0 : i32
    %dma_start3A_666 = arith.constant 0 : i32
    %dma_start3A_667 = tpu.memref_slice %arg10[%dma_start3A_664, %dma_start3A_665, %dma_start3A_666] : memref<3x80x128xf32, #tpu.memory_space<vmem>> -> memref<1x80x128xf32, #tpu.memory_space<vmem>>
    %dma_start3A_668 = tpu.memref_squeeze %dma_start3A_667 : memref<1x80x128xf32, #tpu.memory_space<vmem>> -> memref<80x128xf32, #tpu.memory_space<vmem>>
    %dma_start3A_669 = arith.constant 0 : i32
    %dma_start3A_670 = tpu.memref_slice %arg8[%add3A_663, %dma_start3A_669] : memref<10240x128xf32, #tpu.memory_space<vmem_shared>> -> memref<80x128xf32, #tpu.memory_space<vmem_shared>>
    %dma_start3A_671 = arith.constant 0 : i32
    %dma_start3A_672 = arith.constant 0 : i32
    %dma_start3A_673 = tpu.memref_slice %arg10[%dma_start3A_664, %dma_start3A_671, %dma_start3A_672] : memref<3x80x128xf32, #tpu.memory_space<vmem>> -> memref<1x80x128xf32, #tpu.memory_space<vmem>>
    %dma_start3A_674 = tpu.memref_squeeze %dma_start3A_673 : memref<1x80x128xf32, #tpu.memory_space<vmem>> -> memref<80x128xf32, #tpu.memory_space<vmem>>
    %dma_start3A_675 = arith.constant 0 : i32
    %dma_start3A_676 = tpu.memref_slice %arg8[%add3A_663, %dma_start3A_675] : memref<10240x128xf32, #tpu.memory_space<vmem_shared>> -> memref<80x128xf32, #tpu.memory_space<vmem_shared>>
    tpu.enqueue_dma source(%dma_start3A_676 : memref<80x128xf32, #tpu.memory_space<vmem_shared>>) target(%dma_start3A_674 : memref<80x128xf32, #tpu.memory_space<vmem>>) target_semaphore(%arg13 : memref<!tpu.dma_semaphore, #tpu.memory_space<semaphore_mem>>)
    %add3A_677 = arith.constant 560 : i32
    %add3A_678 = arith.addi %mul3A_2, %add3A_677 : i32
    %dma_wait3A_679 = arith.constant 1 : i32
    %dma_wait3A_680 = arith.constant 0 : i32
    %dma_wait3A_681 = arith.constant 0 : i32
    %dma_wait3A_682 = tpu.memref_slice %arg10[%dma_wait3A_679, %dma_wait3A_680, %dma_wait3A_681] : memref<3x80x128xf32, #tpu.memory_space<vmem>> -> memref<1x80x128xf32, #tpu.memory_space<vmem>>
    %dma_wait3A_683 = tpu.memref_squeeze %dma_wait3A_682 : memref<1x80x128xf32, #tpu.memory_space<vmem>> -> memref<80x128xf32, #tpu.memory_space<vmem>>
    %dma_wait3A_684 = arith.constant 0 : i32
    %dma_wait3A_685 = tpu.memref_slice %arg8[%add3A_678, %dma_wait3A_684] : memref<10240x128xf32, #tpu.memory_space<vmem_shared>> -> memref<80x128xf32, #tpu.memory_space<vmem_shared>>
    %dma_wait3A_686 = arith.constant 0 : i32
    %dma_wait3A_687 = arith.constant 0 : i32
    %dma_wait3A_688 = tpu.memref_slice %arg10[%dma_wait3A_679, %dma_wait3A_686, %dma_wait3A_687] : memref<3x80x128xf32, #tpu.memory_space<vmem>> -> memref<1x80x128xf32, #tpu.memory_space<vmem>>
    %dma_wait3A_689 = tpu.memref_squeeze %dma_wait3A_688 : memref<1x80x128xf32, #tpu.memory_space<vmem>> -> memref<80x128xf32, #tpu.memory_space<vmem>>
    %dma_wait3A_690 = arith.constant 0 : i32
    %dma_wait3A_691 = tpu.memref_slice %arg8[%add3A_678, %dma_wait3A_690] : memref<10240x128xf32, #tpu.memory_space<vmem_shared>> -> memref<80x128xf32, #tpu.memory_space<vmem_shared>>
    tpu.wait_dma2 semaphore(%arg13 : memref<!tpu.dma_semaphore, #tpu.memory_space<semaphore_mem>>) src(%dma_wait3A_691 : memref<80x128xf32, #tpu.memory_space<vmem_shared>>) dst(%dma_wait3A_689 : memref<80x128xf32, #tpu.memory_space<vmem>>)
    %add3A_692 = arith.constant 560 : i32
    %add3A_693 = arith.addi %add3A_254, %add3A_692 : i32
    %dma_start3A_694 = arith.constant 1 : i32
    %dma_start3A_695 = arith.constant 0 : i32
    %dma_start3A_696 = arith.constant 0 : i32
    %dma_start3A_697 = tpu.memref_slice %arg10[%dma_start3A_694, %dma_start3A_695, %dma_start3A_696] : memref<3x80x128xf32, #tpu.memory_space<vmem>> -> memref<1x80x128xf32, #tpu.memory_space<vmem>>
    %dma_start3A_698 = tpu.memref_squeeze %dma_start3A_697 : memref<1x80x128xf32, #tpu.memory_space<vmem>> -> memref<80x128xf32, #tpu.memory_space<vmem>>
    %dma_start3A_699 = arith.constant 0 : i32
    %dma_start3A_700 = tpu.memref_slice %arg6[%add3A_693, %dma_start3A_699] : memref<20480x128xf32, #tpu.memory_space<hbm>> -> memref<80x128xf32, #tpu.memory_space<hbm>>
    %dma_start3A_701 = arith.constant 0 : i32
    %dma_start3A_702 = tpu.memref_slice %arg6[%add3A_693, %dma_start3A_701] : memref<20480x128xf32, #tpu.memory_space<hbm>> -> memref<80x128xf32, #tpu.memory_space<hbm>>
    %dma_start3A_703 = arith.constant 0 : i32
    %dma_start3A_704 = arith.constant 0 : i32
    %dma_start3A_705 = tpu.memref_slice %arg10[%dma_start3A_694, %dma_start3A_703, %dma_start3A_704] : memref<3x80x128xf32, #tpu.memory_space<vmem>> -> memref<1x80x128xf32, #tpu.memory_space<vmem>>
    %dma_start3A_706 = tpu.memref_squeeze %dma_start3A_705 : memref<1x80x128xf32, #tpu.memory_space<vmem>> -> memref<80x128xf32, #tpu.memory_space<vmem>>
    tpu.enqueue_dma source(%dma_start3A_706 : memref<80x128xf32, #tpu.memory_space<vmem>>) target(%dma_start3A_702 : memref<80x128xf32, #tpu.memory_space<hbm>>) target_semaphore(%arg16 : memref<!tpu.dma_semaphore, #tpu.memory_space<semaphore_mem>>)
    %add3A_707 = arith.constant 480 : i32
    %add3A_708 = arith.addi %add3A_254, %add3A_707 : i32
    %dma_wait3A_709 = arith.constant 0 : i32
    %dma_wait3A_710 = arith.constant 0 : i32
    %dma_wait3A_711 = arith.constant 0 : i32
    %dma_wait3A_712 = tpu.memref_slice %arg10[%dma_wait3A_709, %dma_wait3A_710, %dma_wait3A_711] : memref<3x80x128xf32, #tpu.memory_space<vmem>> -> memref<1x80x128xf32, #tpu.memory_space<vmem>>
    %dma_wait3A_713 = tpu.memref_squeeze %dma_wait3A_712 : memref<1x80x128xf32, #tpu.memory_space<vmem>> -> memref<80x128xf32, #tpu.memory_space<vmem>>
    %dma_wait3A_714 = arith.constant 0 : i32
    %dma_wait3A_715 = tpu.memref_slice %arg6[%add3A_708, %dma_wait3A_714] : memref<20480x128xf32, #tpu.memory_space<hbm>> -> memref<80x128xf32, #tpu.memory_space<hbm>>
    %dma_wait3A_716 = arith.constant 0 : i32
    %dma_wait3A_717 = tpu.memref_slice %arg6[%add3A_708, %dma_wait3A_716] : memref<20480x128xf32, #tpu.memory_space<hbm>> -> memref<80x128xf32, #tpu.memory_space<hbm>>
    %dma_wait3A_718 = arith.constant 0 : i32
    %dma_wait3A_719 = arith.constant 0 : i32
    %dma_wait3A_720 = tpu.memref_slice %arg10[%dma_wait3A_709, %dma_wait3A_718, %dma_wait3A_719] : memref<3x80x128xf32, #tpu.memory_space<vmem>> -> memref<1x80x128xf32, #tpu.memory_space<vmem>>
    %dma_wait3A_721 = tpu.memref_squeeze %dma_wait3A_720 : memref<1x80x128xf32, #tpu.memory_space<vmem>> -> memref<80x128xf32, #tpu.memory_space<vmem>>
    tpu.wait_dma2 semaphore(%arg15 : memref<!tpu.dma_semaphore, #tpu.memory_space<semaphore_mem>>) src(%dma_wait3A_721 : memref<80x128xf32, #tpu.memory_space<vmem>>) dst(%dma_wait3A_717 : memref<80x128xf32, #tpu.memory_space<hbm>>)
    %add3A_722 = arith.constant 560 : i32
    %add3A_723 = arith.addi %add3A_254, %add3A_722 : i32
    %dma_wait3A_724 = arith.constant 1 : i32
    %dma_wait3A_725 = arith.constant 0 : i32
    %dma_wait3A_726 = arith.constant 0 : i32
    %dma_wait3A_727 = tpu.memref_slice %arg10[%dma_wait3A_724, %dma_wait3A_725, %dma_wait3A_726] : memref<3x80x128xf32, #tpu.memory_space<vmem>> -> memref<1x80x128xf32, #tpu.memory_space<vmem>>
    %dma_wait3A_728 = tpu.memref_squeeze %dma_wait3A_727 : memref<1x80x128xf32, #tpu.memory_space<vmem>> -> memref<80x128xf32, #tpu.memory_space<vmem>>
    %dma_wait3A_729 = arith.constant 0 : i32
    %dma_wait3A_730 = tpu.memref_slice %arg6[%add3A_723, %dma_wait3A_729] : memref<20480x128xf32, #tpu.memory_space<hbm>> -> memref<80x128xf32, #tpu.memory_space<hbm>>
    %dma_wait3A_731 = arith.constant 0 : i32
    %dma_wait3A_732 = tpu.memref_slice %arg6[%add3A_723, %dma_wait3A_731] : memref<20480x128xf32, #tpu.memory_space<hbm>> -> memref<80x128xf32, #tpu.memory_space<hbm>>
    %dma_wait3A_733 = arith.constant 0 : i32
    %dma_wait3A_734 = arith.constant 0 : i32
    %dma_wait3A_735 = tpu.memref_slice %arg10[%dma_wait3A_724, %dma_wait3A_733, %dma_wait3A_734] : memref<3x80x128xf32, #tpu.memory_space<vmem>> -> memref<1x80x128xf32, #tpu.memory_space<vmem>>
    %dma_wait3A_736 = tpu.memref_squeeze %dma_wait3A_735 : memref<1x80x128xf32, #tpu.memory_space<vmem>> -> memref<80x128xf32, #tpu.memory_space<vmem>>
    tpu.wait_dma2 semaphore(%arg16 : memref<!tpu.dma_semaphore, #tpu.memory_space<semaphore_mem>>) src(%dma_wait3A_736 : memref<80x128xf32, #tpu.memory_space<vmem>>) dst(%dma_wait3A_732 : memref<80x128xf32, #tpu.memory_space<hbm>>)
    %mul3A_737 = arith.constant 10240 : i32
    %mul3A_738 = arith.muli %add3A, %mul3A_737 : i32
    %dma_wait3A_739 = tpu.memref_slice %arg7[%mul3A_738] : memref<327680xf32, #tpu.memory_space<hbm>> -> memref<10240xf32, #tpu.memory_space<hbm>>
    %dma_wait3A_740 = tpu.memref_slice %arg7[%mul3A_738] : memref<327680xf32, #tpu.memory_space<hbm>> -> memref<10240xf32, #tpu.memory_space<hbm>>
    tpu.wait_dma2 semaphore(%arg20 : memref<!tpu.dma_semaphore, #tpu.memory_space<semaphore_mem>>) src(%arg9 : memref<10240xf32, #tpu.memory_space<vmem>>) dst(%dma_wait3A_740 : memref<10240xf32, #tpu.memory_space<hbm>>)
    return
  }
}

module attributes {stable_mosaic.version = 14 : i64} {
  func.func @_combine_kernel(%arg0: memref<2x10240x128xf32, #tpu.memory_space<vmem>>, %arg1: memref<32x10240xf32, #tpu.memory_space<vmem>>, %arg2: memref<10000x128xf32, #tpu.memory_space<vmem>>) attributes {dimension_semantics = [], scalar_prefetch = 0 : i64, scratch_operands = 0 : i64, tpu.core_type = #tpu.core_type<tc>} {
    %get3A = arith.constant 0 : index
    %get3A_0 = arith.constant 0 : index
    %get3A_1 = arith.constant 0 : index
    %get3A_2 = vector.load %arg0[%get3A, %get3A_0, %get3A_1] : memref<2x10240x128xf32, #tpu.memory_space<vmem>>, vector<1x10000x128xf32>
    %get3A_3 = vector.shape_cast %get3A_2 : vector<1x10000x128xf32> to vector<10000x128xf32>
    %get3A_4 = arith.constant 1 : index
    %get3A_5 = arith.constant 0 : index
    %get3A_6 = arith.constant 0 : index
    %get3A_7 = vector.load %arg0[%get3A_4, %get3A_5, %get3A_6] : memref<2x10240x128xf32, #tpu.memory_space<vmem>>, vector<1x10000x128xf32>
    %get3A_8 = vector.shape_cast %get3A_7 : vector<1x10000x128xf32> to vector<10000x128xf32>
    %add3A = arith.addf %get3A_3, %get3A_8 : vector<10000x128xf32>
    %get3A_9 = arith.constant 0 : index
    %get3A_10 = arith.constant 0 : index
    %get3A_11 = vector.load %arg1[%get3A_9, %get3A_10] : memref<32x10240xf32, #tpu.memory_space<vmem>>, vector<32x10240xf32>
    %reduce_sum3A = arith.constant dense<0.000000e+00> : vector<10240xf32>
    %reduce_sum3A_12 = vector.multi_reduction <add>, %get3A_11, %reduce_sum3A [0] : vector<32x10240xf32> to vector<10240xf32>
    %slice3A = vector.extract_strided_slice %reduce_sum3A_12 {offsets = [0], sizes = [10000], strides = [1]} : vector<10240xf32> to vector<10000xf32>
    %broadcast_in_dim3A = vector.shape_cast %slice3A : vector<10000xf32> to vector<10000x1xf32>
    %max3A = arith.constant 1.000000e+00 : f32
    %max3A_13 = vector.broadcast %max3A : f32 to vector<10000x1xf32>
    %max3A_14 = arith.maximumf %broadcast_in_dim3A, %max3A_13 : vector<10000x1xf32>
    %div3A = vector.broadcast %max3A_14 : vector<10000x1xf32> to vector<10000x128xf32>
    %div3A_15 = arith.divf %add3A, %div3A : vector<10000x128xf32>
    %swap3A = arith.constant 0 : index
    %swap3A_16 = arith.constant 0 : index
    %swap3A_17 = vector.load %arg2[%swap3A, %swap3A_16] : memref<10000x128xf32, #tpu.memory_space<vmem>>, vector<10000x128xf32>
    tpu.vector_store %arg2[%swap3A, %swap3A_16], %div3A_15 {strides = array<i32>} : memref<10000x128xf32, #tpu.memory_space<vmem>>, vector<10000x128xf32>,
    return
  }
}

</mosaic_0001>

<sc_bundles>
// kernel: kernel.4.cloned.1.call-start
scs
__scs_entry_jumppad:
0x0: {  	(pc) =	sbr.rel $0x88, $3  }
0x1: {  	(tag) =	ssettag $0x0;
	lr =	simm.s32 $0x1  }
0x2: {  	[smem:$0x3F9F] =	sst lr;
	_ =	strace $0xD0000000  }
0x3: {  	_ = 	snop  }
0x4: {  	_ = 	snop  }
0x5: {  	_ = 	snop  }
0x6: {  	_ = 	snop  }
0x7: {  	_ = 	snop  }
__scs_overlays_trampoline_lowered:
0x8: {  	[smem:$0x3FAE] =	sst s0  }
0x9: {  	[smem:$0x3FAF] =	sst s1  }
0xa: {  	[smem:$0x3FB0] =	sst s2  }
0xb: {  	[smem:$0x3FB1] =	sst s3  }
0xc: {  	[smem:$0x3FB2] =	sst s4  }
0xd: {  	[smem:$0x3FB3] =	sst s5  }
0xe: {  	[smem:$0x3FB4] =	sst s6  }
0xf: {  	[smem:$0x3FB5] =	sst s7  }
0x10: {  	[smem:$0x3FB6] =	sst s8  }
0x11: {  	[smem:$0x3FB7] =	sst s9;
	s0 =	simm.s32 @!p0 $0x0  }
0x12: {  	s1 =	sld [smem:$0x3F9D];
	s0 =	simm.s32 @p0 $0x1  }
0x13: {  	[smem:$0x3FB8] =	sst s0;
	s0 =	simm.s32 @!p1 $0x0  }
0x14: {  	s2 =	sld [smem:$0x3F9C];
	s0 =	simm.s32 @p1 $0x1  }
0x15: {  	[smem:$0x3FB9] =	sst s0;
	s0 =	simm.s32 @!p2 $0x0  }
0x16: {  	s3 =	sld [smem:$0x3FDB];
	s0 =	simm.s32 @p2 $0x1  }
0x17: {  	s4 =	simm.s32 $0x1BF5;
	[smem:$0x3FBB] =	sst s0  }
0x18: {  	s0 =	sld [smem:$0x3F9E];
	_ =	swait.ge [sflag:s4], $0x0  }
0x19: {  	s7 =	sld [smem:$0x3F9F]  }
0x1a: {  	s8 =	sadd.s32 $0xFFFFE003, lr  }
0x1b: {  	s9 =	sadd.s32 $0xFFFFFEF7, lr;
	s5 =	simm.s32 $0xFFFFFFFF;
	p2 =	slt.u32 s8, $0xFFFFF086  }
0x1c: {  	p1 =	slt.u32 s9, $0xF7A;
	s5 =	simm.s32 @!p2 $0x0  }
0x1d: {  	s5 =	simm.s32 @p1 $0x1;
	p0 =	seq.s32 s7, s2  }
0x1e: {  	s7 =	smul.u32 @!p0 $0xF7A, s2;
	p2 =	seq.s32 @!p0 s5, $0x0  }
0x1f: {  	s9 =	smul.u32 $0xF7A, s1;
	s8 =	simm.s32 @!p0 $0x1BF5;
	p2 =	por !p2, p0  }
0x20: {  	[sflag:s8] =	ssyncset.s32 @!p0 $0xFFFFF086;
	s6 =	sadd.s32 @!p0 s3, s7;
	s7 =	simm.s32 @!p0 $0x108  }
0x21: {  	s3 =	sadd.s32 s3, s9;
	s6 =	sadd.s32 @!p0 $0x88, s6;
	s7 =	simm.s32 @p2 $0x1082  }
0x22: {  	[simem:s7], [sflag:s8] =	dma.local @!p0 [hbm:s6], $0xF7A  }
0x23: {  	s9 =	sor.u32 $0xD0000000, s2;
	s6 =	simm.s32 $0x108;
	_ =	swait.ge @!p0 [sflag:s8], $0x0  }
0x24: {  	s3 =	sadd.s32 $0x88, s3;
	s6 =	simm.s32 @!p1 $0x1082;
	[sflag:s4] =	ssyncset.s32 $0xFFFFF086  }
0x25: {  	[simem:s6], [sflag:s4] =	dma.local [hbm:s3], $0xF7A  }
0x26: {  	[smem:$0x3F9F] =	sst s1;
	(tag) =	ssettag s2;
	_ =	strace s9  }
0x27: {  	s1 =	sld [smem:$0x3FAF]  }
0x28: {  	s2 =	sld [smem:$0x3FB0]  }
0x29: {  	s4 =	sld [smem:$0x3FB2]  }
0x2a: {  	p0 =	seq.s32 s5, $0x0;
	s5 =	sld [smem:$0x3FB3]  }
0x2b: {  	s6 =	sld [smem:$0x3FB4]  }
0x2c: {  	s7 =	sld [smem:$0x3FB5]  }
0x2d: {  	s3 =	simm.s32 $0x108;
	s8 =	sld [smem:$0x3FB6]  }
0x2e: {  	s3 =	simm.s32 @!p0 $0x1082;
	s9 =	sld [smem:$0x3FB7]  }
0x2f: {  	lr =	sadd.s32 s0, s3;
	s0 =	sld [smem:$0x3FAE]  }
0x30: {  	s3 =	sld [smem:$0x3FB1]  }
0x31: {  	[smem:$0x3FBA] =	sst s10  }
0x32: {  	s10 =	sld [smem:$0x3FB8];
	_ =	sdelay $0x3  }
0x33: {  	p0 =	seq.s32 s10, $0x1;
	s10 =	sld [smem:$0x3FBA];
	_ =	sdelay $0x3  }
0x34: {  	[smem:$0x3FBA] =	sst s10  }
0x35: {  	s10 =	sld [smem:$0x3FB9];
	_ =	sdelay $0x3  }
0x36: {  	p1 =	seq.s32 s10, $0x1;
	s10 =	sld [smem:$0x3FBA];
	_ =	sdelay $0x3  }
0x37: {  	[smem:$0x3FBA] =	sst s10  }
0x38: {  	s10 =	sld [smem:$0x3FBB]  }
0x39: {  	_ = 	snop;
	(pc) =	sbr.ind lr, $3  }
0x3a: {  	_ = 	snop  }
0x3b: {  	_ = 	snop  }
0x3c: {  	p2 =	seq.s32 s10, $0x1;
	s10 =	sld [smem:$0x3FBA]  }
0x3d: {  	_ =	shalt  }
0x3e: {  	_ =	shalt  }
0x3f: {  	_ =	shalt  }
0x40: {  	_ =	shalt  }
0x41: {  	_ =	shalt  }
0x42: {  	_ =	shalt  }
0x43: {  	_ =	shalt  }
0x44: {  	_ =	shalt  }
0x45: {  	_ =	shalt  }
0x46: {  	_ =	shalt  }
0x47: {  	_ =	shalt  }
0x48: {  	_ =	shalt  }
0x49: {  	_ =	shalt  }
0x4a: {  	_ =	shalt  }
0x4b: {  	_ =	shalt  }
0x4c: {  	_ =	shalt  }
0x4d: {  	_ =	shalt  }
0x4e: {  	_ =	shalt  }
0x4f: {  	_ =	shalt  }
0x50: {  	_ =	shalt  }
0x51: {  	_ =	shalt  }
0x52: {  	_ =	shalt  }
0x53: {  	_ =	shalt  }
0x54: {  	_ =	shalt  }
0x55: {  	_ =	shalt  }
0x56: {  	_ =	shalt  }
0x57: {  	_ =	shalt  }
0x58: {  	_ =	shalt  }
0x59: {  	_ =	shalt  }
0x5a: {  	_ =	shalt  }
0x5b: {  	_ =	shalt  }
0x5c: {  	_ =	shalt  }
0x5d: {  	_ =	shalt  }
0x5e: {  	_ =	shalt  }
0x5f: {  	_ =	shalt  }
0x60: {  	_ =	shalt  }
0x61: {  	_ =	shalt  }
0x62: {  	_ =	shalt  }
0x63: {  	_ =	shalt  }
0x64: {  	_ =	shalt  }
0x65: {  	_ =	shalt  }
0x66: {  	_ =	shalt  }
0x67: {  	_ =	shalt  }
0x68: {  	_ =	shalt  }
0x69: {  	_ =	shalt  }
0x6a: {  	_ =	shalt  }
0x6b: {  	_ =	shalt  }
0x6c: {  	_ =	shalt  }
0x6d: {  	_ =	shalt  }
0x6e: {  	_ =	shalt  }
0x6f: {  	_ =	shalt  }
0x70: {  	_ =	shalt  }
0x71: {  	_ =	shalt  }
0x72: {  	_ =	shalt  }
0x73: {  	_ =	shalt  }
0x74: {  	_ =	shalt  }
0x75: {  	_ =	shalt  }
0x76: {  	_ =	shalt  }
0x77: {  	_ =	shalt  }
0x78: {  	_ =	shalt  }
0x79: {  	_ =	shalt  }
0x7a: {  	_ =	shalt  }
0x7b: {  	_ =	shalt  }
0x7c: {  	_ =	shalt  }
0x7d: {  	_ =	shalt  }
0x7e: {  	_ =	shalt  }
0x7f: {  	_ =	shalt  }
0x80: {  	_ =	shalt  }
0x81: {  	_ =	shalt  }
0x82: {  	_ =	shalt  }
0x83: {  	_ =	shalt  }
0x84: {  	_ =	shalt  }
0x85: {  	_ =	shalt  }
0x86: {  	_ =	shalt  }
0x87: {  	_ =	shalt  }
.Lfunc_end0:
.L_simem_size_0:
called_computation_lowered:
.L_overlay_start_0:
0x88: {  	s2 =	sld [smem:$0x3FD9]  }
0x89: {  	s3 =	sld [smem:$0x3FFE];
	_ =	sdelay $0x1  }
0x8a: {  	s1 =	srdreg.scid  }
0x8b: {  	s0 =	sand.u32 $0x1, s1  }
0x8c: {  	s17 =	sshll.u32 s0, $0xA;
	s2 =	sadd.s32 s3, s2  }
0x8d: {  	s2 =	sadd.s32 s2, s17  }
0x8e: {  	[smem:$0x3FC6] =	sst s2  }
0x8f: {  	_ = 	snop  }
0x90: {  	s2 =	sld [smem:$0x3FC9]  }
0x91: {  	s18 =	sld [smem:$0x3FC8]  }
0x92: {  	s4 =	sld [smem:$0x3FD0];
	(tm) =	ssettm $0x1  }
0x93: {  	s5 =	sld [smem:$0x3FFB];
	_ =	sdelay $0x3  }
0x94: {  	_ =	strace s5  }
0x95: {  	s5 =	sld [smem:$0x3FFC];
	_ =	sdelay $0x3  }
0x96: {  	_ =	strace s5  }
0x97: {  	s5 =	sld [smem:$0x3FFD];
	_ =	sdelay $0x3  }
0x98: {  	_ =	strace s5  }
0x99: {  	_ =	strace $0x8FFFFFFF  }
0x9a: {  	s19 =	sld [smem:$0x3FDB];
	_ =	sdelay $0x1  }
0x9b: {  	s6 =	simm.s32 $_scs_section_size  }
0x9c: {  	s7 =	simm.s32 $_size__tile_overlayer_lowered;
	s8 =	simm.s32 $_tile_overlayer_lowered  }
0x9d: {  	s22 =	simm.s32 $0x1BFF;
	s21 =	sshll.u32 s8, $0x1;
	s5 =	sadd.s32 s6, s19  }
0x9e: {  	s9 =	simm.s32 $0x0;
	s20 =	sshll.u32 s7, $0x1;
	s7 =	sadd.s32 s21, s5  }
0x9f: {  	[timem:s9], [sflag:s22] =	dma.local [hbm:s7], s20  }
0xa0: {  	_ =	swait.ge [sflag:s22], s20  }
0xa1: {  	s6 =	ssub.s32 $0x0, s20;
	[sflag:s22] =	ssyncset.done $0x0  }
0xa2: {  	[sflag:s22] =	ssyncadd.s32 s6;
	_ =	sdelay $0x1  }
0xa3: {  	s23 =	simm.s32 $0x1B8B  }
0xa4: {  	_ =	swait.ge [sflag:s23], $0x1  }
0xa5: {  	[sflag:s23] =	ssyncset.done $0x0  }
0xa6: {  	s25 =	simm.s32 $0x1B8E;
	s24 =	sld [smem:$0x3FFE];
	[sflag:s23] =	ssyncadd.s32 $0xFFFFFFFF  }
0xa7: {  	s26 =	simm.s32 $execute0_lowered;
	[smem:$0x3FD2] =	sst s25  }
0xa8: {  	s7 =	sshll.u32 s26, $0x1;
	_ =	strace $0x80000046;
	[dreg:$0x1] =	wrdreg $0xFFFFFFFF  }
0xa9: {  	s28 =	simm.s32 $_size_execute0_lowered;
	s5 =	sadd.s32 s5, s7;
	[dreg:$0x0] =	wrdreg $0x0  }
0xaa: {  	s7 =	sshll.u32 s28, $0x1;
	[dreg:$0x2] =	wrdreg s5  }
0xab: {  	[dreg:$0x3] =	wrdreg s7  }
0xac: {  	[dreg:$0x4] =	wrdreg $0xC0  }
0xad: {  	_ =	task [dreg:s9], $0x5FFFF  }
0xae: {  	[dreg:$0x1] =	wrdreg $0xFFFFFFFF  }
0xaf: {  	[dreg:$0x0] =	wrdreg $0x60  }
0xb0: {  	[dreg:$0x2] =	wrdreg s2  }
0xb1: {  	[dreg:$0x3] =	wrdreg s18  }
0xb2: {  	[dreg:$0x4] =	wrdreg s24  }
0xb3: {  	[dreg:$0x5] =	wrdreg s4  }
0xb4: {  	[dreg:$0x6] =	wrdreg $0x0  }
0xb5: {  	[dreg:$0x7] =	wrdreg $0x9  }
0xb6: {  	_ =	task.clear_ibuf [dreg:s9], $0x8FFFF;
	_ =	strace $0x90000046  }
0xb7: {  	s29 =	simm.s32 $0x9;
	_ =	strace $0x80000048  }
0xb8: {  	_ =	swait.ge [sflag:s29], $0x1  }
0xb9: {  	[sflag:s29] =	ssyncadd.s32 $0xFFFFFFFF  }
0xba: {  	_ =	strace $0x90000048  }
0xbb: {  	_ =	sfence  }
0xbc: {  	s30 =	sld [smem:$0x0];
	_ =	sdelay $0x2  }
0xbd: {  	s31 =	sshll.u32 s1, $0xD;
	s1 =	sshrl.u32 s1, $0x2  }
0xbe: {  	s3 =	sand.u32 $0x4000, s31;
	s1 =	sadd.s32 s1, s30  }
0xbf: {  	s0 =	sor.u32 s3, s0;
	s1 =	sshll.u32 s1, $0x11  }
0xc0: {  	s0 =	sor.u32 s1, s0  }
0xc1: {  	s0 =	sadd.s32 $0x8F2B, s0  }
0xc2: {  	[sflag:s0] =	ssyncadd.remote.s32 $0x1  }
0xc3: {  	_ =	sfence.sel $0xFFFF  }
0xc4: {  	[dreg:$0x0] =	wrdreg $0xFFFFFFFF;
	(pc) =	sbr.abs _section_cstart, $3  }
0xc5: {  	[dreg:$0x1] =	wrdreg $0xFFFFFFFF  }
0xc6: {  	_ =	task.clear_ibuf [dreg:s9], $0x2FFFF;
	_ =	strace $0x9FFFFFFF  }
0xc7: {  	(tm) =	ssettm $0x7FFFFFFF  }
tec
execute0_lowered:
.L_overlay_start_1:
0x0: {  	(tag) =	ssettag $0x1  }
0x1: {  	s0 =	rddreg [dreg:$0x0]  }
0x2: {  	s1 =	rddreg [dreg:$0x1]  }
0x3: {  	s4 =	rddreg [dreg:$0x2]  }
0x4: {  	s5 =	rddreg [dreg:$0x3]  }
0x5: {  	s2 =	rddreg [dreg:$0x4]  }
0x6: {  	s6 =	srdreg.scid;
	s16 =	stileid.u32  }
0x7: {  	s3 =	simm.s32 $0x0;
	s30 =	simm.s32 $0x14000;
	s7 =	smul.u32 $0x280, s16  }
0x8: {  	s6 =	sand.u32 $0x1, s6;
	[smem:$0x7FF] =	sst s3;
	s28 =	smul.u32 $0x50000, s16  }
0x9: {  	s9 =	sadd.s32 $0x1000, s4;
	s25 =	sadd.s32 $0xA00, s4;
	s17 =	smul.u32 $0x500, s16  }
0xa: {  	s20 =	smul.u32 $0xA, s16;
	_ =	strace $0x80000047;
	[dreg:$0x6] =	wrdreg s9  }
0xb: {  	s31 =	simm.s32 $0x1B800;
	s8 =	smul.u32 $0x2800, s6;
	[dreg:$0x7] =	wrdreg s25  }
0xc: {  	s26 =	sshll.u32 s6, $0x4;
	s29 =	ssub.s32 $0x2, s6;
	s15 =	smul.u32 $0x5000, s6  }
0xd: {  	s6 =	smul.u32 $0xA0, s6;
	s11 =	sshrl.u32 s29, $0x1;
	s9 =	sshrl.u32 s28, $0x2  }
0xe: {  	s7 =	sadd.s32 s7, s8;
	s8 =	sor.u32 s16, s26;
	s14 =	ssub.s32 s29, s11  }
0xf: {  	s25 =	sadd.s32 s9, s2;
	s23 =	sadd.s32 s6, s1;
	s6 =	simm.s32 $0x8  }
0x10: {  	s16 =	simm.s32 $0x1E080;
	s7 =	sshll.u32 s7, $0x4;
	s10 =	smul.u32 $0xA, s8  }
0x11: {  	s13 =	smul.u32 $0x500, s8;
	s9 =	sadd.s32 $0x2800, s25;
	s29 =	smax.u32 s14, $0x1  }
0x12: {  	s4 =	sadd.s32 s7, s4;
	[dreg:$0x13] =	wrdreg s29;
	s7 =	sadd.s32 $0xF000, s25  }
0x13: {  	s21 =	sadd.s32 $0xA000, s25;
	s11 =	sadd.s32 s1, s10;
	[dreg:$0x16] =	wrdreg s7  }
0x14: {  	s14 =	simm.s32 $0x5;
	s12 =	sadd.s32 s0, s13;
	[dreg:$0x8] =	wrdreg s11  }
0x15: {  	s10 =	sadd.s32 $0x5000, s25;
	s5 =	sadd.s32 s5, s13;
	[dreg:$0x9] =	wrdreg s12  }
0x16: {  	s13 =	sadd.s32 $0x1600, s4;
	s18 =	sadd.s32 $0x2000, s4;
	[dreg:$0xa] =	wrdreg s5  }
0x17: {  	s19 =	sadd.s32 $0x2500, s4;
	s0 =	sadd.s32 s15, s0;
	[dreg:$0xb] =	wrdreg s13  }
0x18: {  	s22 =	sadd.s32 $0x2A00, s4;
	s24 =	sadd.s32 $0x2F00, s4;
	[dreg:$0xd] =	wrdreg s18  }
0x19: {  	s26 =	sadd.s32 $0x3400, s4;
	s28 =	sadd.s32 $0x3900, s4;
	[dreg:$0xe] =	wrdreg s19  }
0x1a: {  	s1 =	simm.s32 $0x1E000;
	s15 =	simm.s32 $0x50;
	[dreg:$0xf] =	wrdreg s22  }
0x1b: {  	s11 =	sadd.s32 $0x7800, s25;
	s12 =	sadd.s32 $0x1B00, s4;
	[dreg:$0x10] =	wrdreg s24  }
0x1c: {  	s18 =	sadd.s32 s17, s0;
	s0 =	sadd.s32 s20, s23;
	[dreg:$0x11] =	wrdreg s26  }
0x1d: {  	[dreg:$0x12] =	wrdreg s28;
	s24 =	ssub.s32 $0xFC0, s8;
	s23 =	sadd.s32 $0xC800, s25  }
.Ltmp0:
0x1e: {  	s4 =	simm.s32 $0x16800;
	s5 =	simm.s32 $0x7;
	(pc) =	sbr.rel .LBB2_1-.Ltmp0, $4  }
0x1f: {  	s8 =	simm.s32 $0x1E100;
	s13 =	simm.s32 $0x2;
	[dreg:$0xc] =	wrdreg s12  }
0x20: {  	s17 =	simm.s32 $0x19000;
	s0 =	sadd.s32 $0x3C0, s0;
	[dreg:$0x15] =	wrdreg s23  }
0x21: {  	s19 =	simm.s32 $0x1;
	s12 =	sadd.s32 $0x11800, s25;
	[dreg:$0x14] =	wrdreg s0  }
0x22: {  	v0 =	vimm.f32 $1.000000000e+00;
	s20 =	simm.s32 $0x4;
	s22 =	simm.s32 $0x0;
	[dreg:$0x17] =	wrdreg s12  }
.LBB2_7:
0x23: {  	[bflag:$0x0] =	sbarrier.arrive $0xFFFF  }
0x24: {  	s0 =	rddreg [dreg:$0xa]  }
0x25: {  	[hbm4b:s0+s3] =	stream.linear.scatter [tilespmem:s30], [sflag:$0x9], $0x2800, $0x38;
	[tilespmem:$0x1E200] =	vst v63  }
0x26: {  	_ = 	snop  }
0x27: {  	[tilespmem:s4], [sflag:$0x1] =	stream.linear.gather [spmem:s7], $0x2800, $0x38;
	[tilespmem:$0x1E200] =	vst v63  }
0x28: {  	_ =	swait.ge [sflag:s19], $0x2800  }
0x29: {  	[sflag:s19] =	ssyncset.done $0x0  }
0x2a: {  	s21 =	rddreg [dreg:$0xb];
	[sflag:s19] =	ssyncadd.s32 $0xFFFFD800  }
0x2b: {  	[hbm4b:s21+s3] =	stream.linear.scatter [tilespmem:s4], [sflag:$0x4], $0x2800, $0x38;
	[tilespmem:$0x1E200] =	vst v63  }
0x2c: {  	_ = 	snop  }
0x2d: {  	[tilespmem:s17], [sflag:$0x2] =	stream.linear.gather [spmem:s12], $0x2800, $0x38;
	[tilespmem:$0x1E200] =	vst v63  }
0x2e: {  	_ =	swait.ge [sflag:s13], $0x2800  }
0x2f: {  	[sflag:s13] =	ssyncset.done $0x0  }
0x30: {  	s23 =	rddreg [dreg:$0xc];
	[sflag:s13] =	ssyncadd.s32 $0xFFFFD800  }
0x31: {  	[hbm4b:s23+s3] =	stream.linear.scatter [tilespmem:s17], [sflag:$0x5], $0x2800, $0x38;
	[tilespmem:$0x1E200] =	vst v63  }
0x32: {  	_ =	swait.ge [sflag:s20], $0x2800  }
0x33: {  	[sflag:s20] =	ssyncset.done $0x0  }
0x34: {  	[sflag:s20] =	ssyncadd.s32 $0xFFFFD800  }
0x35: {  	[tilespmem:s4], [sflag:$0x1] =	stream.linear.gather [spmem:s26], $0x2800, $0x38;
	[tilespmem:$0x1E200] =	vst v63  }
0x36: {  	_ =	swait.ge [sflag:s19], $0x2800  }
0x37: {  	[sflag:s19] =	ssyncset.done $0x0  }
0x38: {  	s10 =	smov.u32 s26;
	s26 =	rddreg [dreg:$0xd];
	[sflag:s19] =	ssyncadd.s32 $0xFFFFD800  }
0x39: {  	[hbm4b:s26+s3] =	stream.linear.scatter [tilespmem:s4], [sflag:$0x4], $0x2800, $0x38;
	[tilespmem:$0x1E200] =	vst v63  }
0x3a: {  	_ =	swait.ge [sflag:s14], $0x2800  }
0x3b: {  	[sflag:s14] =	ssyncset.done $0x0  }
0x3c: {  	[sflag:s14] =	ssyncadd.s32 $0xFFFFD800  }
0x3d: {  	[tilespmem:s17], [sflag:$0x2] =	stream.linear.gather [spmem:s28], $0x2800, $0x38;
	[tilespmem:$0x1E200] =	vst v63  }
0x3e: {  	_ =	swait.ge [sflag:s13], $0x2800  }
0x3f: {  	[sflag:s13] =	ssyncset.done $0x0  }
0x40: {  	s11 =	smov.u32 s28;
	s28 =	rddreg [dreg:$0xe];
	[sflag:s13] =	ssyncadd.s32 $0xFFFFD800  }
0x41: {  	[hbm4b:s28+s3] =	stream.linear.scatter [tilespmem:s17], [sflag:$0x5], $0x2800, $0x38;
	[tilespmem:$0x1E200] =	vst v63  }
0x42: {  	_ =	swait.ge [sflag:s20], $0x2800  }
0x43: {  	[sflag:s20] =	ssyncset.done $0x0  }
0x44: {  	[sflag:s20] =	ssyncadd.s32 $0xFFFFD800  }
0x45: {  	[tilespmem:s4], [sflag:$0x1] =	stream.linear.gather [spmem:s29], $0x2800, $0x38;
	[tilespmem:$0x1E200] =	vst v63  }
0x46: {  	_ =	swait.ge [sflag:s19], $0x2800  }
0x47: {  	[sflag:s19] =	ssyncset.done $0x0  }
0x48: {  	s21 =	smov.u32 s29;
	s29 =	rddreg [dreg:$0xf];
	[sflag:s19] =	ssyncadd.s32 $0xFFFFD800  }
0x49: {  	[hbm4b:s29+s3] =	stream.linear.scatter [tilespmem:s4], [sflag:$0x4], $0x2800, $0x38;
	[tilespmem:$0x1E200] =	vst v63  }
0x4a: {  	_ =	swait.ge [sflag:s14], $0x2800  }
0x4b: {  	[sflag:s14] =	ssyncset.done $0x0  }
0x4c: {  	s23 =	rddreg [dreg:$0x15];
	[sflag:s14] =	ssyncadd.s32 $0xFFFFD800  }
0x4d: {  	[tilespmem:s17], [sflag:$0x2] =	stream.linear.gather [spmem:s23], $0x2800, $0x38;
	[tilespmem:$0x1E200] =	vst v63  }
0x4e: {  	_ =	swait.ge [sflag:s13], $0x2800  }
0x4f: {  	[sflag:s13] =	ssyncset.done $0x0  }
0x50: {  	s25 =	smov.u32 s7;
	s7 =	rddreg [dreg:$0x10];
	[sflag:s13] =	ssyncadd.s32 $0xFFFFD800  }
0x51: {  	[hbm4b:s7+s3] =	stream.linear.scatter [tilespmem:s17], [sflag:$0x5], $0x2800, $0x38;
	[tilespmem:$0x1E200] =	vst v63  }
0x52: {  	_ =	swait.ge [sflag:s20], $0x2800  }
0x53: {  	[sflag:s20] =	ssyncset.done $0x0  }
0x54: {  	s7 =	rddreg [dreg:$0x16];
	[sflag:s20] =	ssyncadd.s32 $0xFFFFD800  }
0x55: {  	[tilespmem:s4], [sflag:$0x1] =	stream.linear.gather [spmem:s7], $0x2800, $0x38;
	[tilespmem:$0x1E200] =	vst v63  }
0x56: {  	_ =	swait.ge [sflag:s19], $0x2800  }
0x57: {  	[sflag:s19] =	ssyncset.done $0x0  }
0x58: {  	s9 =	smov.u32 s12;
	s12 =	rddreg [dreg:$0x11];
	[sflag:s19] =	ssyncadd.s32 $0xFFFFD800  }
0x59: {  	[hbm4b:s12+s3] =	stream.linear.scatter [tilespmem:s4], [sflag:$0x4], $0x2800, $0x38;
	[tilespmem:$0x1E200] =	vst v63  }
0x5a: {  	_ =	swait.ge [sflag:s14], $0x2800  }
0x5b: {  	[sflag:s14] =	ssyncset.done $0x0  }
0x5c: {  	s12 =	rddreg [dreg:$0x17];
	[sflag:s14] =	ssyncadd.s32 $0xFFFFD800  }
0x5d: {  	[tilespmem:s17], [sflag:$0x2] =	stream.linear.gather [spmem:s12], $0x2800, $0x38;
	[tilespmem:$0x1E200] =	vst v63  }
0x5e: {  	_ =	swait.ge [sflag:s13], $0x2800  }
0x5f: {  	[sflag:s13] =	ssyncset.done $0x0  }
0x60: {  	s26 =	rddreg [dreg:$0x12];
	[sflag:s13] =	ssyncadd.s32 $0xFFFFD800  }
0x61: {  	[hbm4b:s26+s3] =	stream.linear.scatter [tilespmem:s17], [sflag:$0x5], $0x2800, $0x38;
	[tilespmem:$0x1E200] =	vst v63  }
0x62: {  	_ =	swait.ge [sflag:s20], $0x2800  }
0x63: {  	[sflag:s20] =	ssyncset.done $0x0  }
0x64: {  	[sflag:s20] =	ssyncadd.s32 $0xFFFFD800  }
0x65: {  	_ =	swait.ge [sflag:s14], $0x2800  }
0x66: {  	[sflag:s14] =	ssyncset.done $0x0  }
0x67: {  	s28 =	simm.s32 $0x9;
	[sflag:s14] =	ssyncadd.s32 $0xFFFFD800  }
0x68: {  	_ =	swait.ge [sflag:s28], $0x2800  }
0x69: {  	s22 =	sadd.s32 $0x1, s22;
	s29 =	rddreg [dreg:$0x13]  }
0x6a: {  	p0 =	sne.s32 s22, s29  }
.Ltmp1:
0x6b: {  	_ = 	snop;
	(pc) =	sbr.rel @!p0 .LBB2_8-.Ltmp1, $3  }
0x6c: {  	_ =	sdelay $0x1  }
0x6d: {  	[sflag:s28] =	ssyncset.done $0x0  }
0x6e: {  	[sflag:s28] =	ssyncadd.s32 $0xFFFFD800  }
.LBB2_1:
0x6f: {  	s0 =	rddreg [dreg:$0x7]  }
0x70: {  	[tilespmem:s30], [sflag:$0x7] =	stream.linear.gather [hbm4b:s0+s3], $0x2800, $0x38;
	[tilespmem:$0x1E200] =	vst v63  }
0x71: {  	s26 =	rddreg [dreg:$0x6]  }
0x72: {  	[tilespmem:s31], [sflag:$0xA] =	stream.linear.gather [hbm4b:s26+s3], $0x2800, $0x38;
	[tilespmem:$0x1E200] =	vst v63  }
0x73: {  	s26 =	simm.s32 $0xA  }
0x74: {  	_ =	swait.ge [sflag:s26], $0x2800  }
0x75: {  	[sflag:s26] =	ssyncset.done $0x0  }
0x76: {  	[sflag:s26] =	ssyncadd.s32 $0xFFFFD800;
	s26 =	rddreg [dreg:$0x8]  }
0x77: {  	[tilespmem:s1], [sflag:$0x1] =	stream.linear.gather [hbm4b:s26+s3], $0x50, $0x38;
	[tilespmem:$0x1E200] =	vst v63  }
0x78: {  	s26 =	rddreg [dreg:$0x9]  }
0x79: {  	[tilespmem:s4], [sflag:$0x4] =	stream.linear.gather [hbm4b:s26+s3], $0x2800, $0x38;
	[tilespmem:$0x1E200] =	vst v63  }
0x7a: {  	_ = 	snop  }
0x7b: {  	[spmem:s25] =	stream.linear.scatter [tilespmem:s31], [sflag:$0x8], $0x2800, $0x38;
	[tilespmem:$0x1E200] =	vst v63  }
0x7c: {  	_ = 	snop  }
0x7d: {  	[spmem:s9] =	stream.linear.scatter [tilespmem:s31], [sflag:$0x8], $0x2800, $0x38;
	[tilespmem:$0x1E200] =	vst v63  }
0x7e: {  	_ = 	snop  }
0x7f: {  	[spmem:s10] =	stream.linear.scatter [tilespmem:s31], [sflag:$0x8], $0x2800, $0x38;
	[tilespmem:$0x1E200] =	vst v63  }
0x80: {  	_ = 	snop  }
0x81: {  	[spmem:s11] =	stream.linear.scatter [tilespmem:s31], [sflag:$0x8], $0x2800, $0x38;
	[tilespmem:$0x1E200] =	vst v63  }
0x82: {  	_ = 	snop  }
0x83: {  	[spmem:s21] =	stream.linear.scatter [tilespmem:s31], [sflag:$0x8], $0x2800, $0x38;
	[tilespmem:$0x1E200] =	vst v63  }
0x84: {  	_ = 	snop  }
0x85: {  	[spmem:s23] =	stream.linear.scatter [tilespmem:s31], [sflag:$0x8], $0x2800, $0x38;
	[tilespmem:$0x1E200] =	vst v63  }
0x86: {  	s0 =	smov.u32 s7  }
0x87: {  	[spmem:s0] =	stream.linear.scatter [tilespmem:s31], [sflag:$0x8], $0x2800, $0x38;
	[tilespmem:$0x1E200] =	vst v63  }
0x88: {  	s7 =	smov.u32 s25;
	s25 =	smov.u32 s12  }
0x89: {  	[spmem:s25] =	stream.linear.scatter [tilespmem:s31], [sflag:$0x8], $0x2800, $0x38;
	[tilespmem:$0x1E200] =	vst v63  }
0x8a: {  	_ =	swait.ge [sflag:s5], $0x2800  }
0x8b: {  	[sflag:s5] =	ssyncset.done $0x0  }
0x8c: {  	[sflag:s5] =	ssyncadd.s32 $0xFFFFD800  }
0x8d: {  	_ =	swait.ge [sflag:s6], $0x2800  }
0x8e: {  	[sflag:s6] =	ssyncset.done $0x0  }
0x8f: {  	[sflag:s6] =	ssyncadd.s32 $0xFFFFD800  }
0x90: {  	_ =	swait.ge [sflag:s6], $0x2800  }
0x91: {  	[sflag:s6] =	ssyncset.done $0x0  }
0x92: {  	[sflag:s6] =	ssyncadd.s32 $0xFFFFD800  }
0x93: {  	_ =	swait.ge [sflag:s6], $0x2800  }
0x94: {  	[sflag:s6] =	ssyncset.done $0x0  }
0x95: {  	[sflag:s6] =	ssyncadd.s32 $0xFFFFD800  }
0x96: {  	_ =	swait.ge [sflag:s6], $0x2800  }
0x97: {  	[sflag:s6] =	ssyncset.done $0x0  }
0x98: {  	[sflag:s6] =	ssyncadd.s32 $0xFFFFD800  }
0x99: {  	_ =	swait.ge [sflag:s6], $0x2800  }
0x9a: {  	[sflag:s6] =	ssyncset.done $0x0  }
0x9b: {  	[sflag:s6] =	ssyncadd.s32 $0xFFFFD800  }
0x9c: {  	_ =	swait.ge [sflag:s6], $0x2800  }
0x9d: {  	[sflag:s6] =	ssyncset.done $0x0  }
0x9e: {  	[sflag:s6] =	ssyncadd.s32 $0xFFFFD800  }
0x9f: {  	_ =	swait.ge [sflag:s6], $0x2800  }
0xa0: {  	[sflag:s6] =	ssyncset.done $0x0  }
0xa1: {  	[sflag:s6] =	ssyncadd.s32 $0xFFFFD800  }
.Ltmp2:
0xa2: {  	_ =	swait.ge [sflag:s6], $0x2800;
	(pc) =	sbr.rel .LBB2_2-.Ltmp2, $4  }
0xa3: {  	s28 =	smov.u32 s11;
	[sflag:s6] =	ssyncset.done $0x0  }
0xa4: {  	s29 =	smov.u32 s21;
	s26 =	smov.u32 s10;
	[sflag:s6] =	ssyncadd.s32 $0xFFFFD800  }
0xa5: {  	s12 =	smov.u32 s9;
	s21 =	simm.s32 $0x0;
	[bflag:$0x0] =	sbarrier.arrive $0xFFFF  }
0xa6: {  	s23 =	simm.s32 $0x0;
	s0 =	simm.s32 $0x0;
	s25 =	rddreg [dreg:$0x14]  }
.LBB2_3:
0xa7: {  	s9 =	sadd.s32 $0xFFFFFEC0, s25;
	s11 =	sadd.s32 s0, s18  }
0xa8: {  	[tilespmem:s8], [sflag:$0x3] =	stream.linear.gather [hbm4b:s9+s3], $0x50, $0x38;
	[tilespmem:$0x1E200] =	vst v63  }
0xa9: {  	s9 =	sadd.s32 $0x14000, s11  }
0xaa: {  	[tilespmem:s31], [sflag:$0x6] =	stream.linear.gather [hbm4b:s9+s3], $0x2800, $0x38;
	[tilespmem:$0x1E200] =	vst v63  }
.LBB2_5:
0xab: {  	_ =	swait.ge [sflag:s13], $0x50  }
0xac: {  	[sflag:s13] =	ssyncset.done $0x0  }
0xad: {  	[sflag:s13] =	ssyncadd.s32 $0xFFFFFFB0  }
0xae: {  	_ =	swait.ge [sflag:s14], $0x2800  }
0xaf: {  	[sflag:s14] =	ssyncset.done $0x0  }
0xb0: {  	[sflag:s14] =	ssyncadd.s32 $0xFFFFD800  }
0xb1: {  	[spmem:s2] =	stream.indirect.scatter.add.f32 [tilespmem:s17], [sflag:$0x8], $0x80, s16, s15, $0xb8;
	[tilespmem:$0x1E200] =	vst v63  }
0xb2: {  	v1 =	vld [tilespmem:$0x1E080];
	_ =	sdelay $0x7  }
0xb3: {  	[tilespmem:v1+s30+$0x0] =	vst.idx.add.f32.msk $0xffff, v0  }
0xb4: {  	v1 =	vld [tilespmem:$0x1E090];
	_ =	sdelay $0x7  }
0xb5: {  	[tilespmem:v1+s30+$0x0] =	vst.idx.add.f32.msk $0xffff, v0  }
0xb6: {  	v1 =	vld [tilespmem:$0x1E0A0];
	_ =	sdelay $0x7  }
0xb7: {  	[tilespmem:v1+s30+$0x0] =	vst.idx.add.f32.msk $0xffff, v0  }
0xb8: {  	v1 =	vld [tilespmem:$0x1E0B0];
	_ =	sdelay $0x7  }
0xb9: {  	[tilespmem:v1+s30+$0x0] =	vst.idx.add.f32.msk $0xffff, v0  }
0xba: {  	v1 =	vld [tilespmem:$0x1E0C0];
	_ =	sdelay $0x7  }
0xbb: {  	[tilespmem:v1+s30+$0x0] =	vst.idx.add.f32.msk $0xffff, v0  }
0xbc: {  	_ =	swait.ge [sflag:s5], $0x2800  }
0xbd: {  	[sflag:s5] =	ssyncset.done $0x0  }
0xbe: {  	s9 =	simm.s32 @!p0 $0x0;
	s10 =	simm.s32 @!p0 $0x1E000;
	[sflag:s5] =	ssyncadd.s32 $0xFFFFD800  }
0xbf: {  	[tilespmem:s10], [sflag:$0x1] =	stream.linear.gather @!p0 [hbm4b:s25+s9], $0x50, $0x38;
	[tilespmem:$0x1E200] =	vst v63  }
0xc0: {  	s10 =	sadd.s32 @!p0 s0, s18  }
0xc1: {  	s11 =	simm.s32 @!p0 $0x16800;
	s10 =	sadd.s32 @!p0 $0x1E000, s10  }
0xc2: {  	[tilespmem:s11], [sflag:$0x4] =	stream.linear.gather @!p0 [hbm4b:s10+s9], $0x2800, $0x38;
	[tilespmem:$0x1E200] =	vst v63  }
0xc3: {  	s9 =	simm.s32 @!p0 $0x3  }
0xc4: {  	_ =	swait.ge @!p0 [sflag:s9], $0x50  }
0xc5: {  	[sflag:s9] =	ssyncset.done @!p0 $0x0  }
0xc6: {  	[sflag:s9] =	ssyncadd.s32 @!p0 $0xFFFFFFB0;
	s9 =	simm.s32 @!p0 $0x6  }
0xc7: {  	_ =	swait.ge @!p0 [sflag:s9], $0x2800  }
0xc8: {  	s10 =	simm.s32 @!p0 $0x1E100;
	[sflag:s9] =	ssyncset.done @!p0 $0x0  }
0xc9: {  	s11 =	simm.s32 @!p0 $0x1B800;
	[sflag:s9] =	ssyncadd.s32 @!p0 $0xFFFFD800;
	s9 =	simm.s32 @!p0 $0x50  }
0xca: {  	[spmem:s2] =	stream.indirect.scatter.add.f32 @!p0 [tilespmem:s11], [sflag:$0x9], $0x80, s10, s9, $0xb8;
	[tilespmem:$0x1E200] =	vst v63  }
0xcb: {  	v1 =	vld @!p0 [tilespmem:$0x1E100];
	_ =	sdelay $0x6  }
0xcc: {  	v2 =	vimm.f32 @!p0 $1.000000000e+00;
	s9 =	simm.s32 @!p0 $0x14000  }
0xcd: {  	[tilespmem:v1+s9+$0x0] =	vst.idx.add.f32.msk @!p0 $0xffff, v2  }
0xce: {  	v1 =	vld @!p0 [tilespmem:$0x1E110];
	_ =	sdelay $0x7  }
0xcf: {  	[tilespmem:v1+s9+$0x0] =	vst.idx.add.f32.msk @!p0 $0xffff, v2  }
0xd0: {  	v1 =	vld @!p0 [tilespmem:$0x1E120];
	_ =	sdelay $0x7  }
0xd1: {  	[tilespmem:v1+s9+$0x0] =	vst.idx.add.f32.msk @!p0 $0xffff, v2  }
0xd2: {  	v1 =	vld @!p0 [tilespmem:$0x1E130];
	_ =	sdelay $0x7  }
0xd3: {  	[tilespmem:v1+s9+$0x0] =	vst.idx.add.f32.msk @!p0 $0xffff, v2  }
0xd4: {  	v1 =	vld @!p0 [tilespmem:$0x1E140];
	_ =	sdelay $0x7  }
0xd5: {  	[tilespmem:v1+s9+$0x0] =	vst.idx.add.f32.msk @!p0 $0xffff, v2  }
.LBB2_6:
0xd6: {  	s0 =	sadd.s32 $0x1E000, s0  }
0xd7: {  	p0 =	sne.s32 s0, $0x50A000  }
.Ltmp3:
0xd8: {  	_ = 	snop;
	(pc) =	sbr.rel @!p0 .LBB2_7-.Ltmp3, $2  }
0xd9: {  	_ =	sdelay $0x2  }
0xda: {  	s21 =	sadd.s32 $0x1, s21;
	s23 =	sadd.s32 $0x60, s23;
	s25 =	sadd.s32 $0x3C0, s25  }
.LBB2_2:
0xdb: {  	p0 =	seq.s32 s0, $0x0  }
0xdc: {  	s9 =	simm.s32 @!p0 $0x8  }
0xdd: {  	p1 =	seq.s32 @!p0 s0, $0x4EC000;
	_ =	swait.ge @!p0 [sflag:s9], $0x2800  }
0xde: {  	p2 =	por p0, !p1;
	[sflag:s9] =	ssyncset.done @!p0 $0x0  }
0xdf: {  	[sflag:s9] =	ssyncadd.s32 @!p0 $0xFFFFD800;
	s9 =	sadd.s32 @p2 $0xFFFFFD80, s25  }
0xe0: {  	[tilespmem:s16], [sflag:$0x2] =	stream.linear.gather @p2 [hbm4b:s9+s3], $0x50, $0x38;
	[tilespmem:$0x1E200] =	vst v63  }
0xe1: {  	s9 =	sadd.s32 @p2 s0, s18  }
0xe2: {  	s9 =	sadd.s32 @p2 $0xA000, s9  }
0xe3: {  	[tilespmem:s17], [sflag:$0x5] =	stream.linear.gather @p2 [hbm4b:s9+s3], $0x2800, $0x38;
	[tilespmem:$0x1E200] =	vst v63  }
0xe4: {  	_ =	swait.ge @p2 [sflag:s19], $0x50  }
0xe5: {  	[sflag:s19] =	ssyncset.done @p2 $0x0  }
0xe6: {  	[sflag:s19] =	ssyncadd.s32 @p2 $0xFFFFFFB0  }
0xe7: {  	_ =	swait.ge @p2 [sflag:s20], $0x2800  }
0xe8: {  	[sflag:s20] =	ssyncset.done @p2 $0x0  }
0xe9: {  	[sflag:s20] =	ssyncadd.s32 @p2 $0xFFFFD800  }
0xea: {  	[spmem:s2] =	stream.indirect.scatter.add.f32 @p2 [tilespmem:s4], [sflag:$0x7], $0x80, s1, s15, $0xb8;
	[tilespmem:$0x1E200] =	vst v63  }
0xeb: {  	v1 =	vld @p2 [tilespmem:$0x1E000];
	_ =	sdelay $0x7  }
0xec: {  	[tilespmem:v1+s30+$0x0] =	vst.idx.add.f32.msk @p2 $0xffff, v0  }
0xed: {  	v1 =	vld @p2 [tilespmem:$0x1E010];
	_ =	sdelay $0x7  }
0xee: {  	[tilespmem:v1+s30+$0x0] =	vst.idx.add.f32.msk @p2 $0xffff, v0  }
0xef: {  	v1 =	vld @p2 [tilespmem:$0x1E020];
	_ =	sdelay $0x7  }
0xf0: {  	[tilespmem:v1+s30+$0x0] =	vst.idx.add.f32.msk @p2 $0xffff, v0  }
0xf1: {  	v1 =	vld @p2 [tilespmem:$0x1E030];
	_ =	sdelay $0x7  }
0xf2: {  	[tilespmem:v1+s30+$0x0] =	vst.idx.add.f32.msk @p2 $0xffff, v0  }
0xf3: {  	v1 =	vld @p2 [tilespmem:$0x1E040];
	_ =	sdelay $0x6  }
0xf4: {  	p1 =	por @!p0 $0x1, $0x1  }
0xf5: {  	p1 =	por @p2 $0x0, $0x0;
	[tilespmem:v1+s30+$0x0] =	vst.idx.add.f32.msk @p2 $0xffff, v0;
	p2 =	sge.u32 @!p0 s23, s24  }
0xf6: {  	p2 =	por p2, p0;
	p0 =	sgt.u32 s21, $0x28  }
.Ltmp4:
0xf7: {  	_ = 	snop;
	(pc) =	sbr.rel @!p0 .LBB2_3-.Ltmp4, $4  }
0xf8: {  	s9 =	simm.s32 @!p2 $0x9  }
0xf9: {  	_ =	swait.ge @!p2 [sflag:s9], $0x2800  }
0xfa: {  	[sflag:s9] =	ssyncset.done @!p2 $0x0  }
0xfb: {  	[sflag:s9] =	ssyncadd.s32 @!p2 $0xFFFFD800  }
.Ltmp5:
0xfc: {  	(pc) =	sbr.rel @p1 .LBB2_6-.Ltmp5, $4  }
.Ltmp6:
0xfd: {  	(pc) =	sbr.rel @!p1 .LBB2_5-.Ltmp6, $4  }
0xfe: {  	_ = 	snop  }
0xff: {  	_ = 	snop  }
0x100: {  	_ = 	snop  }
0x101: {  	_ = 	snop  }
.LBB2_8:
0x102: {  	_ =	sfence.sel $0x180000  }
0x103: {  	[bflag:$0x0] =	sbarrier.arrive $0xFFFF  }
0x104: {  	_ =	strace $0x90000047  }
0x105: {  	s0 =	stileid.u32;
	[bflag:$0x2] =	sbarrier.arrive $0xFFFF  }
0x106: {  	p0 =	sne.s32 s0, $0x0;
	s0 =	rddreg [dreg:$0x5]  }
0x107: {  	s0 =	sadd.s32 @!p0 $0x100000, s0  }
0x108: {  	[sflag:s0] =	ssyncadd.tile.s32 @!p0 $0x1;
	_ =	shalt  }
.Lfunc_end2:
_tile_overlayer_lowered:
.L_overlay_start_2:
0x109: {  	(tag) =	ssettag $0x2  }
0x10a: {  	s0 =	rddreg [dreg:$0x0];
	s2 =	stileid.u32  }
0x10b: {  	s1 =	rddreg [dreg:$0x1];
	p0 =	sne.s32 s2, $0x0  }
0x10c: {  	s3 =	rddreg [dreg:$0x2];
	[bflag:$0x3] =	sbarrier.arrive $0xFFFF;
	s2 =	simm.s32 @!p0 $0x1C0A  }
0x10d: {  	[timem:s3], [sflag:s2] =	dma.local @!p0 [hbm:s0], s1  }
0x10e: {  	s0 =	simm.s32 @!p0 $0xA  }
0x10f: {  	_ =	swait.ge @!p0 [sflag:s0], s1  }
0x110: {  	s1 =	ssub.s32 @!p0 $0x0, s1;
	[sflag:s0] =	ssyncset.done @!p0 $0x0  }
0x111: {  	[sflag:s0] =	ssyncadd.s32 @!p0 s1  }
0x112: {  	[bflag:$0x3] =	sbarrier.arrive $0xFFFF  }
0x113: {  	_ =	shalt  }

</sc_bundles>
